<compile_context>
chip_gen: v7x
topology: tpu7x:2x2x1
jax: 0.10.2.dev20260603
libtpu: 0.0.44.dev20260713+nightly
codegen_flags: <defaults>
</compile_context>

<pallas_src>
import functools

import jax
import jax.numpy as jnp
from jax import lax
from jax.experimental import pallas as pl
from jax.experimental.pallas import tpu as pltpu
from jax.experimental.pallas import tpu_sc as plsc

D = 128
NC = 2
NS = 16
NW = NC * NS
CHUNK = 128
NSLOT = 5
LA = 2


@functools.lru_cache(maxsize=None)
def _gather_call(n_chunks):
    assert n_chunks % NSLOT == 0 and n_chunks >= NSLOT
    b_per_w = n_chunks * CHUNK
    B = NW * b_per_w
    n_outer = n_chunks // NSLOT
    mesh = plsc.VectorSubcoreMesh(core_axis_name="c", subcore_axis_name="s")

    @functools.partial(
        pl.kernel,
        mesh=mesh,
        out_type=jax.ShapeDtypeStruct((B, D), jnp.float32),
        scratch_types=(
            [
                pltpu.VMEM((n_chunks, CHUNK), jnp.int32),
                pltpu.VMEM((NSLOT, CHUNK, D), jnp.float32),
            ]
            + [pltpu.SemaphoreType.DMA] * (1 + 2 * NSLOT)
        ),
    )
    def k(table_hbm, idx_hbm, out_hbm, idx_v, rows_v, *sems):
        isem = sems[0]
        gsems = sems[1 : 1 + NSLOT]
        osems = sems[1 + NSLOT :]

        wid = lax.axis_index("s") * NC + lax.axis_index("c")
        base = wid * b_per_w

        pltpu.async_copy(idx_hbm.at[wid], idx_v, isem).wait()

        def g_start(j, slot):
            pltpu.async_copy(table_hbm.at[idx_v.at[j]], rows_v.at[slot],
                             gsems[slot])

        def g_wait(j, slot):
            pltpu.make_async_copy(table_hbm.at[idx_v.at[j]], rows_v.at[slot],
                                  gsems[slot]).wait()

        def w_start(j, slot):
            pltpu.async_copy(rows_v.at[slot],
                             out_hbm.at[pl.ds(base + j * CHUNK, CHUNK)],
                             osems[slot])

        def w_wait(j, slot):
            pltpu.make_async_copy(rows_v.at[slot],
                                  out_hbm.at[pl.ds(base + j * CHUNK, CHUNK)],
                                  osems[slot]).wait()

        for b in range(LA):
            g_start(b, b)

        def outer(g, carry):
            j0 = g * NSLOT
            for b in range(NSLOT):
                j = j0 + b
                g_wait(j, b)
                w_start(j, b)
                ns = (b + LA) % NSLOT

                @pl.when(j + LA < n_chunks)
                def _():
                    @pl.when(j + LA >= NSLOT)
                    def _():
                        w_wait(j + LA - NSLOT, ns)

                    g_start(j + LA, ns)

            return carry

        lax.fori_loop(0, n_outer, outer, 0)

        for j in range(n_chunks - NSLOT, n_chunks):
            w_wait(j, j % NSLOT)

    return k


def kernel(t, embed_table):
    assert t.ndim == 2, "Expects (B, T)"
    Bt, T = t.shape
    total = Bt * T
    assert total % (NW * CHUNK) == 0
    n_chunks = total // (NW * CHUNK)
    idx = t.reshape(NW, n_chunks, CHUNK).astype(jnp.int32)
    out = _gather_call(n_chunks)(embed_table, idx)
    return out.reshape(Bt, T, D)

# --- scband reference (transcript-rebuilt; emitter-appended) ---
"""Pipeline reference for scband-simple-position-encoding-54623394071327 (READ-ONLY COPY).

The authoritative reference and input builder live on the scoring server;
editing this copy changes nothing except your own understanding.
"""

import jax, jax.numpy as jnp
import numpy as np

EMBED_DIM = 128
MAX_TIMESTEP = 100000

def setup_inputs(seed: int = 0) -> dict:
    key = jax.random.key(seed)
    k_t, k_w = jax.random.split(key)
    t = jax.random.randint(k_t, (4096, 200), 0, MAX_TIMESTEP, dtype=jnp.int64 if jax.config.jax_enable_x64 else jnp.int32)
    embed_table = jax.random.normal(k_w, (MAX_TIMESTEP, EMBED_DIM), dtype=jnp.float32)
    return {"t": t, "embed_table": embed_table}

def reference(t, embed_table):
    # SimplePositionEncoding.forward: assert t.dim()==2; return self._embed(t)
    assert t.ndim == 2, 'Expects (B, T)'
    return jnp.take(embed_table, t, axis=0)

if __name__ == "__main__":
    import jax
    _d = setup_inputs()
    print(jax.jit(kernel)(*tuple(_d.values())))

</pallas_src>

<mosaic_0001>
#map = affine_map<(d0, d1) -> (0, 0)>
#map1 = affine_map<(d0, d1) -> (0, 0, 0)>
module attributes {stable_mosaic.version = 14 : i64} {
  func.func @k(%arg0: i32, %arg1: i32, %arg2: memref<100000x128xf32, #tpu.memory_space<hbm>>, %arg3: memref<32x200x128xi32, #tpu.memory_space<hbm>>, %arg4: memref<819200x128xf32, #tpu.memory_space<hbm>>, %arg5: memref<200x128xi32, #tpu.memory_space<vmem>>, %arg6: memref<5x128x128xf32, #tpu.memory_space<vmem>>, %arg7: memref<!tpu.dma_semaphore, #tpu.memory_space<semaphore_mem>>, %arg8: memref<!tpu.dma_semaphore, #tpu.memory_space<semaphore_mem>>, %arg9: memref<!tpu.dma_semaphore, #tpu.memory_space<semaphore_mem>>, %arg10: memref<!tpu.dma_semaphore, #tpu.memory_space<semaphore_mem>>, %arg11: memref<!tpu.dma_semaphore, #tpu.memory_space<semaphore_mem>>, %arg12: memref<!tpu.dma_semaphore, #tpu.memory_space<semaphore_mem>>, %arg13: memref<!tpu.dma_semaphore, #tpu.memory_space<semaphore_mem>>, %arg14: memref<!tpu.dma_semaphore, #tpu.memory_space<semaphore_mem>>, %arg15: memref<!tpu.dma_semaphore, #tpu.memory_space<semaphore_mem>>, %arg16: memref<!tpu.dma_semaphore, #tpu.memory_space<semaphore_mem>>, %arg17: memref<!tpu.dma_semaphore, #tpu.memory_space<semaphore_mem>>) attributes {dimension_semantics = [#tpu.dimension_semantics<core_parallel>, #tpu.dimension_semantics<subcore_parallel>], iteration_bounds = array<i64: 2, 16>, scalar_prefetch = 0 : i64, scratch_operands = 13 : i64, tpu.core_type = #tpu.core_type<sc_vector_subcore>, window_params = [{transform_indices = #map}, {transform_indices = #map1}, {transform_indices = #map}]} {
    %mul3A = arith.constant 2 : i32
    %mul3A_0 = arith.muli %arg1, %mul3A : i32
    %add3A = arith.addi %mul3A_0, %arg0 : i32
    %mul3A_1 = arith.constant 25600 : i32
    %mul3A_2 = arith.muli %add3A, %mul3A_1 : i32
    %dma_start3A = arith.constant 0 : i32
    %dma_start3A_3 = arith.constant 0 : i32
    %dma_start3A_4 = tpu.memref_slice %arg3[%add3A, %dma_start3A, %dma_start3A_3] : memref<32x200x128xi32, #tpu.memory_space<hbm>> -> memref<1x200x128xi32, #tpu.memory_space<hbm>>
    %dma_start3A_5 = tpu.memref_squeeze %dma_start3A_4 : memref<1x200x128xi32, #tpu.memory_space<hbm>> -> memref<200x128xi32, #tpu.memory_space<hbm>>
    %dma_start3A_6 = arith.constant 0 : i32
    %dma_start3A_7 = arith.constant 0 : i32
    %dma_start3A_8 = tpu.memref_slice %arg3[%add3A, %dma_start3A_6, %dma_start3A_7] : memref<32x200x128xi32, #tpu.memory_space<hbm>> -> memref<1x200x128xi32, #tpu.memory_space<hbm>>
    %dma_start3A_9 = tpu.memref_squeeze %dma_start3A_8 : memref<1x200x128xi32, #tpu.memory_space<hbm>> -> memref<200x128xi32, #tpu.memory_space<hbm>>
    tpu.enqueue_dma source(%dma_start3A_9 : memref<200x128xi32, #tpu.memory_space<hbm>>) target(%arg5 : memref<200x128xi32, #tpu.memory_space<vmem>>) target_semaphore(%arg7 : memref<!tpu.dma_semaphore, #tpu.memory_space<semaphore_mem>>)
    %dma_wait3A = arith.constant 0 : i32
    %dma_wait3A_10 = arith.constant 0 : i32
    %dma_wait3A_11 = tpu.memref_slice %arg3[%add3A, %dma_wait3A, %dma_wait3A_10] : memref<32x200x128xi32, #tpu.memory_space<hbm>> -> memref<1x200x128xi32, #tpu.memory_space<hbm>>
    %dma_wait3A_12 = tpu.memref_squeeze %dma_wait3A_11 : memref<1x200x128xi32, #tpu.memory_space<hbm>> -> memref<200x128xi32, #tpu.memory_space<hbm>>
    %dma_wait3A_13 = arith.constant 0 : i32
    %dma_wait3A_14 = arith.constant 0 : i32
    %dma_wait3A_15 = tpu.memref_slice %arg3[%add3A, %dma_wait3A_13, %dma_wait3A_14] : memref<32x200x128xi32, #tpu.memory_space<hbm>> -> memref<1x200x128xi32, #tpu.memory_space<hbm>>
    %dma_wait3A_16 = tpu.memref_squeeze %dma_wait3A_15 : memref<1x200x128xi32, #tpu.memory_space<hbm>> -> memref<200x128xi32, #tpu.memory_space<hbm>>
    tpu.wait_dma2 semaphore(%arg7 : memref<!tpu.dma_semaphore, #tpu.memory_space<semaphore_mem>>) src(%dma_wait3A_16 : memref<200x128xi32, #tpu.memory_space<hbm>>) dst(%arg5 : memref<200x128xi32, #tpu.memory_space<vmem>>)
    %dma_start3A_17 = arith.constant 0 : i32
    %dma_start3A_18 = arith.constant 0 : i32
    %dma_start3A_19 = arith.constant 0 : i32
    %dma_start3A_20 = arith.constant 0 : i32
    %dma_start3A_21 = tpu.memref_slice %arg6[%dma_start3A_18, %dma_start3A_19, %dma_start3A_20] : memref<5x128x128xf32, #tpu.memory_space<vmem>> -> memref<1x128x128xf32, #tpu.memory_space<vmem>>
    %dma_start3A_22 = tpu.memref_squeeze %dma_start3A_21 : memref<1x128x128xf32, #tpu.memory_space<vmem>> -> memref<128x128xf32, #tpu.memory_space<vmem>>
    %dma_start3A_23 = arith.constant 0 : i32
    %dma_start3A_24 = tpu.memref_slice %arg5[%dma_start3A_17, %dma_start3A_23] : memref<200x128xi32, #tpu.memory_space<vmem>> -> memref<1x128xi32, #tpu.memory_space<vmem>>
    %dma_start3A_25 = tpu.memref_squeeze %dma_start3A_24 : memref<1x128xi32, #tpu.memory_space<vmem>> -> memref<128xi32, #tpu.memory_space<vmem>>
    %dma_start3A_26 = arith.constant 0 : i32
    %dma_start3A_27 = arith.constant 0 : i32
    %dma_start3A_28 = tpu.memref_slice %arg2[%dma_start3A_26, %dma_start3A_27] : memref<100000x128xf32, #tpu.memory_space<hbm>> -> memref<100000x128xf32, #tpu.memory_space<hbm>>
    tpu.enqueue_indirect_dma source(%dma_start3A_28 : memref<100000x128xf32, #tpu.memory_space<hbm>>) target(%dma_start3A_22 : memref<128x128xf32, #tpu.memory_space<vmem>>) offsets(%dma_start3A_25 : memref<128xi32, #tpu.memory_space<vmem>>) semaphore(%arg8 : memref<!tpu.dma_semaphore, #tpu.memory_space<semaphore_mem>>)
    %dma_start3A_29 = arith.constant 1 : i32
    %dma_start3A_30 = arith.constant 1 : i32
    %dma_start3A_31 = arith.constant 0 : i32
    %dma_start3A_32 = arith.constant 0 : i32
    %dma_start3A_33 = tpu.memref_slice %arg6[%dma_start3A_30, %dma_start3A_31, %dma_start3A_32] : memref<5x128x128xf32, #tpu.memory_space<vmem>> -> memref<1x128x128xf32, #tpu.memory_space<vmem>>
    %dma_start3A_34 = tpu.memref_squeeze %dma_start3A_33 : memref<1x128x128xf32, #tpu.memory_space<vmem>> -> memref<128x128xf32, #tpu.memory_space<vmem>>
    %dma_start3A_35 = arith.constant 0 : i32
    %dma_start3A_36 = tpu.memref_slice %arg5[%dma_start3A_29, %dma_start3A_35] : memref<200x128xi32, #tpu.memory_space<vmem>> -> memref<1x128xi32, #tpu.memory_space<vmem>>
    %dma_start3A_37 = tpu.memref_squeeze %dma_start3A_36 : memref<1x128xi32, #tpu.memory_space<vmem>> -> memref<128xi32, #tpu.memory_space<vmem>>
    %dma_start3A_38 = arith.constant 0 : i32
    %dma_start3A_39 = arith.constant 0 : i32
    %dma_start3A_40 = tpu.memref_slice %arg2[%dma_start3A_38, %dma_start3A_39] : memref<100000x128xf32, #tpu.memory_space<hbm>> -> memref<100000x128xf32, #tpu.memory_space<hbm>>
    tpu.enqueue_indirect_dma source(%dma_start3A_40 : memref<100000x128xf32, #tpu.memory_space<hbm>>) target(%dma_start3A_34 : memref<128x128xf32, #tpu.memory_space<vmem>>) offsets(%dma_start3A_37 : memref<128xi32, #tpu.memory_space<vmem>>) semaphore(%arg9 : memref<!tpu.dma_semaphore, #tpu.memory_space<semaphore_mem>>)
    %scan3A = arith.constant 0 : i32
    %scan3A_41 = arith.constant 0 : i32
    %scan3A_42 = arith.constant 40 : i32
    %scan3A_43 = arith.addi %scan3A_41, %scan3A_42 : i32
    %scan3A_44 = arith.constant 1 : i32
    scf.for %scan3A_121 = %scan3A_41 to %scan3A_43 step %scan3A_44  : i32 {
      %mul3A_122 = arith.constant 5 : i32
      %mul3A_123 = arith.muli %scan3A_121, %mul3A_122 : i32
      %add3A_124 = arith.constant 0 : i32
      %add3A_125 = arith.addi %mul3A_123, %add3A_124 : i32
      %dma_wait3A_126 = arith.constant 0 : i32
      %dma_wait3A_127 = arith.constant 0 : i32
      %dma_wait3A_128 = arith.constant 0 : i32
      %dma_wait3A_129 = tpu.memref_slice %arg6[%dma_wait3A_126, %dma_wait3A_127, %dma_wait3A_128] : memref<5x128x128xf32, #tpu.memory_space<vmem>> -> memref<1x128x128xf32, #tpu.memory_space<vmem>>
      %dma_wait3A_130 = tpu.memref_squeeze %dma_wait3A_129 : memref<1x128x128xf32, #tpu.memory_space<vmem>> -> memref<128x128xf32, #tpu.memory_space<vmem>>
      %dma_wait3A_131 = arith.constant 0 : i32
      %dma_wait3A_132 = tpu.memref_slice %arg5[%add3A_125, %dma_wait3A_131] : memref<200x128xi32, #tpu.memory_space<vmem>> -> memref<1x128xi32, #tpu.memory_space<vmem>>
      %dma_wait3A_133 = tpu.memref_squeeze %dma_wait3A_132 : memref<1x128xi32, #tpu.memory_space<vmem>> -> memref<128xi32, #tpu.memory_space<vmem>>
      %dma_wait3A_134 = arith.constant 0 : i32
      %dma_wait3A_135 = arith.constant 0 : i32
      %dma_wait3A_136 = tpu.memref_slice %arg2[%dma_wait3A_134, %dma_wait3A_135] : memref<100000x128xf32, #tpu.memory_space<hbm>> -> memref<100000x128xf32, #tpu.memory_space<hbm>>
      tpu.wait_indirect_dma semaphore(%arg8 : memref<!tpu.dma_semaphore, #tpu.memory_space<semaphore_mem>>) src(%dma_wait3A_136 : memref<100000x128xf32, #tpu.memory_space<hbm>>) dst(%dma_wait3A_130 : memref<128x128xf32, #tpu.memory_space<vmem>>)
      %mul3A_137 = arith.constant 128 : i32
      %mul3A_138 = arith.muli %add3A_125, %mul3A_137 : i32
      %add3A_139 = arith.addi %mul3A_2, %mul3A_138 : i32
      %dma_start3A_140 = arith.constant 0 : i32
      %dma_start3A_141 = arith.constant 0 : i32
      %dma_start3A_142 = arith.constant 0 : i32
      %dma_start3A_143 = tpu.memref_slice %arg6[%dma_start3A_140, %dma_start3A_141, %dma_start3A_142] : memref<5x128x128xf32, #tpu.memory_space<vmem>> -> memref<1x128x128xf32, #tpu.memory_space<vmem>>
      %dma_start3A_144 = tpu.memref_squeeze %dma_start3A_143 : memref<1x128x128xf32, #tpu.memory_space<vmem>> -> memref<128x128xf32, #tpu.memory_space<vmem>>
      %dma_start3A_145 = arith.constant 0 : i32
      %dma_start3A_146 = tpu.memref_slice %arg4[%add3A_139, %dma_start3A_145] : memref<819200x128xf32, #tpu.memory_space<hbm>> -> memref<128x128xf32, #tpu.memory_space<hbm>>
      %dma_start3A_147 = arith.constant 0 : i32
      %dma_start3A_148 = tpu.memref_slice %arg4[%add3A_139, %dma_start3A_147] : memref<819200x128xf32, #tpu.memory_space<hbm>> -> memref<128x128xf32, #tpu.memory_space<hbm>>
      %dma_start3A_149 = arith.constant 0 : i32
      %dma_start3A_150 = arith.constant 0 : i32
      %dma_start3A_151 = tpu.memref_slice %arg6[%dma_start3A_140, %dma_start3A_149, %dma_start3A_150] : memref<5x128x128xf32, #tpu.memory_space<vmem>> -> memref<1x128x128xf32, #tpu.memory_space<vmem>>
      %dma_start3A_152 = tpu.memref_squeeze %dma_start3A_151 : memref<1x128x128xf32, #tpu.memory_space<vmem>> -> memref<128x128xf32, #tpu.memory_space<vmem>>
      tpu.enqueue_dma source(%dma_start3A_152 : memref<128x128xf32, #tpu.memory_space<vmem>>) target(%dma_start3A_148 : memref<128x128xf32, #tpu.memory_space<hbm>>) target_semaphore(%arg13 : memref<!tpu.dma_semaphore, #tpu.memory_space<semaphore_mem>>)
      %add3A_153 = arith.constant 2 : i32
      %add3A_154 = arith.addi %add3A_125, %add3A_153 : i32
      %lt3A = arith.constant 200 : i32
      %lt3A_155 = arith.cmpi slt, %add3A_154, %lt3A : i32
      %convert_element_type3A = arith.extui %lt3A_155 : i1 to i32
      %cond3A = arith.constant 0 : i32
      %cond3A_156 = arith.cmpi ne, %convert_element_type3A, %cond3A : i32
      scf.if %cond3A_156 {
        %add3A_301 = arith.constant 2 : i32
        %add3A_302 = arith.addi %add3A_125, %add3A_301 : i32
        %ge3A = arith.constant 5 : i32
        %ge3A_303 = arith.cmpi sge, %add3A_302, %ge3A : i32
        %convert_element_type3A_304 = arith.extui %ge3A_303 : i1 to i32
        %cond3A_305 = arith.constant 0 : i32
        %cond3A_306 = arith.cmpi ne, %convert_element_type3A_304, %cond3A_305 : i32
        scf.if %cond3A_306 {
          %add3A_320 = arith.constant 2 : i32
          %add3A_321 = arith.addi %add3A_125, %add3A_320 : i32
          %sub3A = arith.constant 5 : i32
          %sub3A_322 = arith.subi %add3A_321, %sub3A : i32
          %mul3A_323 = arith.constant 128 : i32
          %mul3A_324 = arith.muli %sub3A_322, %mul3A_323 : i32
          %add3A_325 = arith.addi %mul3A_2, %mul3A_324 : i32
          %dma_wait3A_326 = arith.constant 2 : i32
          %dma_wait3A_327 = arith.constant 0 : i32
          %dma_wait3A_328 = arith.constant 0 : i32
          %dma_wait3A_329 = tpu.memref_slice %arg6[%dma_wait3A_326, %dma_wait3A_327, %dma_wait3A_328] : memref<5x128x128xf32, #tpu.memory_space<vmem>> -> memref<1x128x128xf32, #tpu.memory_space<vmem>>
          %dma_wait3A_330 = tpu.memref_squeeze %dma_wait3A_329 : memref<1x128x128xf32, #tpu.memory_space<vmem>> -> memref<128x128xf32, #tpu.memory_space<vmem>>
          %dma_wait3A_331 = arith.constant 0 : i32
          %dma_wait3A_332 = tpu.memref_slice %arg4[%add3A_325, %dma_wait3A_331] : memref<819200x128xf32, #tpu.memory_space<hbm>> -> memref<128x128xf32, #tpu.memory_space<hbm>>
          %dma_wait3A_333 = arith.constant 0 : i32
          %dma_wait3A_334 = tpu.memref_slice %arg4[%add3A_325, %dma_wait3A_333] : memref<819200x128xf32, #tpu.memory_space<hbm>> -> memref<128x128xf32, #tpu.memory_space<hbm>>
          %dma_wait3A_335 = arith.constant 0 : i32
          %dma_wait3A_336 = arith.constant 0 : i32
          %dma_wait3A_337 = tpu.memref_slice %arg6[%dma_wait3A_326, %dma_wait3A_335, %dma_wait3A_336] : memref<5x128x128xf32, #tpu.memory_space<vmem>> -> memref<1x128x128xf32, #tpu.memory_space<vmem>>
          %dma_wait3A_338 = tpu.memref_squeeze %dma_wait3A_337 : memref<1x128x128xf32, #tpu.memory_space<vmem>> -> memref<128x128xf32, #tpu.memory_space<vmem>>
          tpu.wait_dma2 semaphore(%arg15 : memref<!tpu.dma_semaphore, #tpu.memory_space<semaphore_mem>>) src(%dma_wait3A_338 : memref<128x128xf32, #tpu.memory_space<vmem>>) dst(%dma_wait3A_334 : memref<128x128xf32, #tpu.memory_space<hbm>>)
        } else {
        }
        %add3A_307 = arith.constant 2 : i32
        %add3A_308 = arith.addi %add3A_125, %add3A_307 : i32
        %dma_start3A_309 = arith.constant 2 : i32
        %dma_start3A_310 = arith.constant 0 : i32
        %dma_start3A_311 = arith.constant 0 : i32
        %dma_start3A_312 = tpu.memref_slice %arg6[%dma_start3A_309, %dma_start3A_310, %dma_start3A_311] : memref<5x128x128xf32, #tpu.memory_space<vmem>> -> memref<1x128x128xf32, #tpu.memory_space<vmem>>
        %dma_start3A_313 = tpu.memref_squeeze %dma_start3A_312 : memref<1x128x128xf32, #tpu.memory_space<vmem>> -> memref<128x128xf32, #tpu.memory_space<vmem>>
        %dma_start3A_314 = arith.constant 0 : i32
        %dma_start3A_315 = tpu.memref_slice %arg5[%add3A_308, %dma_start3A_314] : memref<200x128xi32, #tpu.memory_space<vmem>> -> memref<1x128xi32, #tpu.memory_space<vmem>>
        %dma_start3A_316 = tpu.memref_squeeze %dma_start3A_315 : memref<1x128xi32, #tpu.memory_space<vmem>> -> memref<128xi32, #tpu.memory_space<vmem>>
        %dma_start3A_317 = arith.constant 0 : i32
        %dma_start3A_318 = arith.constant 0 : i32
        %dma_start3A_319 = tpu.memref_slice %arg2[%dma_start3A_317, %dma_start3A_318] : memref<100000x128xf32, #tpu.memory_space<hbm>> -> memref<100000x128xf32, #tpu.memory_space<hbm>>
        tpu.enqueue_indirect_dma source(%dma_start3A_319 : memref<100000x128xf32, #tpu.memory_space<hbm>>) target(%dma_start3A_313 : memref<128x128xf32, #tpu.memory_space<vmem>>) offsets(%dma_start3A_316 : memref<128xi32, #tpu.memory_space<vmem>>) semaphore(%arg10 : memref<!tpu.dma_semaphore, #tpu.memory_space<semaphore_mem>>)
      } else {
      }
      %add3A_157 = arith.constant 1 : i32
      %add3A_158 = arith.addi %mul3A_123, %add3A_157 : i32
      %dma_wait3A_159 = arith.constant 1 : i32
      %dma_wait3A_160 = arith.constant 0 : i32
      %dma_wait3A_161 = arith.constant 0 : i32
      %dma_wait3A_162 = tpu.memref_slice %arg6[%dma_wait3A_159, %dma_wait3A_160, %dma_wait3A_161] : memref<5x128x128xf32, #tpu.memory_space<vmem>> -> memref<1x128x128xf32, #tpu.memory_space<vmem>>
      %dma_wait3A_163 = tpu.memref_squeeze %dma_wait3A_162 : memref<1x128x128xf32, #tpu.memory_space<vmem>> -> memref<128x128xf32, #tpu.memory_space<vmem>>
      %dma_wait3A_164 = arith.constant 0 : i32
      %dma_wait3A_165 = tpu.memref_slice %arg5[%add3A_158, %dma_wait3A_164] : memref<200x128xi32, #tpu.memory_space<vmem>> -> memref<1x128xi32, #tpu.memory_space<vmem>>
      %dma_wait3A_166 = tpu.memref_squeeze %dma_wait3A_165 : memref<1x128xi32, #tpu.memory_space<vmem>> -> memref<128xi32, #tpu.memory_space<vmem>>
      %dma_wait3A_167 = arith.constant 0 : i32
      %dma_wait3A_168 = arith.constant 0 : i32
      %dma_wait3A_169 = tpu.memref_slice %arg2[%dma_wait3A_167, %dma_wait3A_168] : memref<100000x128xf32, #tpu.memory_space<hbm>> -> memref<100000x128xf32, #tpu.memory_space<hbm>>
      tpu.wait_indirect_dma semaphore(%arg9 : memref<!tpu.dma_semaphore, #tpu.memory_space<semaphore_mem>>) src(%dma_wait3A_169 : memref<100000x128xf32, #tpu.memory_space<hbm>>) dst(%dma_wait3A_163 : memref<128x128xf32, #tpu.memory_space<vmem>>)
      %mul3A_170 = arith.constant 128 : i32
      %mul3A_171 = arith.muli %add3A_158, %mul3A_170 : i32
      %add3A_172 = arith.addi %mul3A_2, %mul3A_171 : i32
      %dma_start3A_173 = arith.constant 1 : i32
      %dma_start3A_174 = arith.constant 0 : i32
      %dma_start3A_175 = arith.constant 0 : i32
      %dma_start3A_176 = tpu.memref_slice %arg6[%dma_start3A_173, %dma_start3A_174, %dma_start3A_175] : memref<5x128x128xf32, #tpu.memory_space<vmem>> -> memref<1x128x128xf32, #tpu.memory_space<vmem>>
      %dma_start3A_177 = tpu.memref_squeeze %dma_start3A_176 : memref<1x128x128xf32, #tpu.memory_space<vmem>> -> memref<128x128xf32, #tpu.memory_space<vmem>>
      %dma_start3A_178 = arith.constant 0 : i32
      %dma_start3A_179 = tpu.memref_slice %arg4[%add3A_172, %dma_start3A_178] : memref<819200x128xf32, #tpu.memory_space<hbm>> -> memref<128x128xf32, #tpu.memory_space<hbm>>
      %dma_start3A_180 = arith.constant 0 : i32
      %dma_start3A_181 = tpu.memref_slice %arg4[%add3A_172, %dma_start3A_180] : memref<819200x128xf32, #tpu.memory_space<hbm>> -> memref<128x128xf32, #tpu.memory_space<hbm>>
      %dma_start3A_182 = arith.constant 0 : i32
      %dma_start3A_183 = arith.constant 0 : i32
      %dma_start3A_184 = tpu.memref_slice %arg6[%dma_start3A_173, %dma_start3A_182, %dma_start3A_183] : memref<5x128x128xf32, #tpu.memory_space<vmem>> -> memref<1x128x128xf32, #tpu.memory_space<vmem>>
      %dma_start3A_185 = tpu.memref_squeeze %dma_start3A_184 : memref<1x128x128xf32, #tpu.memory_space<vmem>> -> memref<128x128xf32, #tpu.memory_space<vmem>>
      tpu.enqueue_dma source(%dma_start3A_185 : memref<128x128xf32, #tpu.memory_space<vmem>>) target(%dma_start3A_181 : memref<128x128xf32, #tpu.memory_space<hbm>>) target_semaphore(%arg14 : memref<!tpu.dma_semaphore, #tpu.memory_space<semaphore_mem>>)
      %add3A_186 = arith.constant 2 : i32
      %add3A_187 = arith.addi %add3A_158, %add3A_186 : i32
      %lt3A_188 = arith.constant 200 : i32
      %lt3A_189 = arith.cmpi slt, %add3A_187, %lt3A_188 : i32
      %convert_element_type3A_190 = arith.extui %lt3A_189 : i1 to i32
      %cond3A_191 = arith.constant 0 : i32
      %cond3A_192 = arith.cmpi ne, %convert_element_type3A_190, %cond3A_191 : i32
      scf.if %cond3A_192 {
        %add3A_301 = arith.constant 2 : i32
        %add3A_302 = arith.addi %add3A_158, %add3A_301 : i32
        %ge3A = arith.constant 5 : i32
        %ge3A_303 = arith.cmpi sge, %add3A_302, %ge3A : i32
        %convert_element_type3A_304 = arith.extui %ge3A_303 : i1 to i32
        %cond3A_305 = arith.constant 0 : i32
        %cond3A_306 = arith.cmpi ne, %convert_element_type3A_304, %cond3A_305 : i32
        scf.if %cond3A_306 {
          %add3A_320 = arith.constant 2 : i32
          %add3A_321 = arith.addi %add3A_158, %add3A_320 : i32
          %sub3A = arith.constant 5 : i32
          %sub3A_322 = arith.subi %add3A_321, %sub3A : i32
          %mul3A_323 = arith.constant 128 : i32
          %mul3A_324 = arith.muli %sub3A_322, %mul3A_323 : i32
          %add3A_325 = arith.addi %mul3A_2, %mul3A_324 : i32
          %dma_wait3A_326 = arith.constant 3 : i32
          %dma_wait3A_327 = arith.constant 0 : i32
          %dma_wait3A_328 = arith.constant 0 : i32
          %dma_wait3A_329 = tpu.memref_slice %arg6[%dma_wait3A_326, %dma_wait3A_327, %dma_wait3A_328] : memref<5x128x128xf32, #tpu.memory_space<vmem>> -> memref<1x128x128xf32, #tpu.memory_space<vmem>>
          %dma_wait3A_330 = tpu.memref_squeeze %dma_wait3A_329 : memref<1x128x128xf32, #tpu.memory_space<vmem>> -> memref<128x128xf32, #tpu.memory_space<vmem>>
          %dma_wait3A_331 = arith.constant 0 : i32
          %dma_wait3A_332 = tpu.memref_slice %arg4[%add3A_325, %dma_wait3A_331] : memref<819200x128xf32, #tpu.memory_space<hbm>> -> memref<128x128xf32, #tpu.memory_space<hbm>>
          %dma_wait3A_333 = arith.constant 0 : i32
          %dma_wait3A_334 = tpu.memref_slice %arg4[%add3A_325, %dma_wait3A_333] : memref<819200x128xf32, #tpu.memory_space<hbm>> -> memref<128x128xf32, #tpu.memory_space<hbm>>
          %dma_wait3A_335 = arith.constant 0 : i32
          %dma_wait3A_336 = arith.constant 0 : i32
          %dma_wait3A_337 = tpu.memref_slice %arg6[%dma_wait3A_326, %dma_wait3A_335, %dma_wait3A_336] : memref<5x128x128xf32, #tpu.memory_space<vmem>> -> memref<1x128x128xf32, #tpu.memory_space<vmem>>
          %dma_wait3A_338 = tpu.memref_squeeze %dma_wait3A_337 : memref<1x128x128xf32, #tpu.memory_space<vmem>> -> memref<128x128xf32, #tpu.memory_space<vmem>>
          tpu.wait_dma2 semaphore(%arg16 : memref<!tpu.dma_semaphore, #tpu.memory_space<semaphore_mem>>) src(%dma_wait3A_338 : memref<128x128xf32, #tpu.memory_space<vmem>>) dst(%dma_wait3A_334 : memref<128x128xf32, #tpu.memory_space<hbm>>)
        } else {
        }
        %add3A_307 = arith.constant 2 : i32
        %add3A_308 = arith.addi %add3A_158, %add3A_307 : i32
        %dma_start3A_309 = arith.constant 3 : i32
        %dma_start3A_310 = arith.constant 0 : i32
        %dma_start3A_311 = arith.constant 0 : i32
        %dma_start3A_312 = tpu.memref_slice %arg6[%dma_start3A_309, %dma_start3A_310, %dma_start3A_311] : memref<5x128x128xf32, #tpu.memory_space<vmem>> -> memref<1x128x128xf32, #tpu.memory_space<vmem>>
        %dma_start3A_313 = tpu.memref_squeeze %dma_start3A_312 : memref<1x128x128xf32, #tpu.memory_space<vmem>> -> memref<128x128xf32, #tpu.memory_space<vmem>>
        %dma_start3A_314 = arith.constant 0 : i32
        %dma_start3A_315 = tpu.memref_slice %arg5[%add3A_308, %dma_start3A_314] : memref<200x128xi32, #tpu.memory_space<vmem>> -> memref<1x128xi32, #tpu.memory_space<vmem>>
        %dma_start3A_316 = tpu.memref_squeeze %dma_start3A_315 : memref<1x128xi32, #tpu.memory_space<vmem>> -> memref<128xi32, #tpu.memory_space<vmem>>
        %dma_start3A_317 = arith.constant 0 : i32
        %dma_start3A_318 = arith.constant 0 : i32
        %dma_start3A_319 = tpu.memref_slice %arg2[%dma_start3A_317, %dma_start3A_318] : memref<100000x128xf32, #tpu.memory_space<hbm>> -> memref<100000x128xf32, #tpu.memory_space<hbm>>
        tpu.enqueue_indirect_dma source(%dma_start3A_319 : memref<100000x128xf32, #tpu.memory_space<hbm>>) target(%dma_start3A_313 : memref<128x128xf32, #tpu.memory_space<vmem>>) offsets(%dma_start3A_316 : memref<128xi32, #tpu.memory_space<vmem>>) semaphore(%arg11 : memref<!tpu.dma_semaphore, #tpu.memory_space<semaphore_mem>>)
      } else {
      }
      %add3A_193 = arith.constant 2 : i32
      %add3A_194 = arith.addi %mul3A_123, %add3A_193 : i32
      %dma_wait3A_195 = arith.constant 2 : i32
      %dma_wait3A_196 = arith.constant 0 : i32
      %dma_wait3A_197 = arith.constant 0 : i32
      %dma_wait3A_198 = tpu.memref_slice %arg6[%dma_wait3A_195, %dma_wait3A_196, %dma_wait3A_197] : memref<5x128x128xf32, #tpu.memory_space<vmem>> -> memref<1x128x128xf32, #tpu.memory_space<vmem>>
      %dma_wait3A_199 = tpu.memref_squeeze %dma_wait3A_198 : memref<1x128x128xf32, #tpu.memory_space<vmem>> -> memref<128x128xf32, #tpu.memory_space<vmem>>
      %dma_wait3A_200 = arith.constant 0 : i32
      %dma_wait3A_201 = tpu.memref_slice %arg5[%add3A_194, %dma_wait3A_200] : memref<200x128xi32, #tpu.memory_space<vmem>> -> memref<1x128xi32, #tpu.memory_space<vmem>>
      %dma_wait3A_202 = tpu.memref_squeeze %dma_wait3A_201 : memref<1x128xi32, #tpu.memory_space<vmem>> -> memref<128xi32, #tpu.memory_space<vmem>>
      %dma_wait3A_203 = arith.constant 0 : i32
      %dma_wait3A_204 = arith.constant 0 : i32
      %dma_wait3A_205 = tpu.memref_slice %arg2[%dma_wait3A_203, %dma_wait3A_204] : memref<100000x128xf32, #tpu.memory_space<hbm>> -> memref<100000x128xf32, #tpu.memory_space<hbm>>
      tpu.wait_indirect_dma semaphore(%arg10 : memref<!tpu.dma_semaphore, #tpu.memory_space<semaphore_mem>>) src(%dma_wait3A_205 : memref<100000x128xf32, #tpu.memory_space<hbm>>) dst(%dma_wait3A_199 : memref<128x128xf32, #tpu.memory_space<vmem>>)
      %mul3A_206 = arith.constant 128 : i32
      %mul3A_207 = arith.muli %add3A_194, %mul3A_206 : i32
      %add3A_208 = arith.addi %mul3A_2, %mul3A_207 : i32
      %dma_start3A_209 = arith.constant 2 : i32
      %dma_start3A_210 = arith.constant 0 : i32
      %dma_start3A_211 = arith.constant 0 : i32
      %dma_start3A_212 = tpu.memref_slice %arg6[%dma_start3A_209, %dma_start3A_210, %dma_start3A_211] : memref<5x128x128xf32, #tpu.memory_space<vmem>> -> memref<1x128x128xf32, #tpu.memory_space<vmem>>
      %dma_start3A_213 = tpu.memref_squeeze %dma_start3A_212 : memref<1x128x128xf32, #tpu.memory_space<vmem>> -> memref<128x128xf32, #tpu.memory_space<vmem>>
      %dma_start3A_214 = arith.constant 0 : i32
      %dma_start3A_215 = tpu.memref_slice %arg4[%add3A_208, %dma_start3A_214] : memref<819200x128xf32, #tpu.memory_space<hbm>> -> memref<128x128xf32, #tpu.memory_space<hbm>>
      %dma_start3A_216 = arith.constant 0 : i32
      %dma_start3A_217 = tpu.memref_slice %arg4[%add3A_208, %dma_start3A_216] : memref<819200x128xf32, #tpu.memory_space<hbm>> -> memref<128x128xf32, #tpu.memory_space<hbm>>
      %dma_start3A_218 = arith.constant 0 : i32
      %dma_start3A_219 = arith.constant 0 : i32
      %dma_start3A_220 = tpu.memref_slice %arg6[%dma_start3A_209, %dma_start3A_218, %dma_start3A_219] : memref<5x128x128xf32, #tpu.memory_space<vmem>> -> memref<1x128x128xf32, #tpu.memory_space<vmem>>
      %dma_start3A_221 = tpu.memref_squeeze %dma_start3A_220 : memref<1x128x128xf32, #tpu.memory_space<vmem>> -> memref<128x128xf32, #tpu.memory_space<vmem>>
      tpu.enqueue_dma source(%dma_start3A_221 : memref<128x128xf32, #tpu.memory_space<vmem>>) target(%dma_start3A_217 : memref<128x128xf32, #tpu.memory_space<hbm>>) target_semaphore(%arg15 : memref<!tpu.dma_semaphore, #tpu.memory_space<semaphore_mem>>)
      %add3A_222 = arith.constant 2 : i32
      %add3A_223 = arith.addi %add3A_194, %add3A_222 : i32
      %lt3A_224 = arith.constant 200 : i32
      %lt3A_225 = arith.cmpi slt, %add3A_223, %lt3A_224 : i32
      %convert_element_type3A_226 = arith.extui %lt3A_225 : i1 to i32
      %cond3A_227 = arith.constant 0 : i32
      %cond3A_228 = arith.cmpi ne, %convert_element_type3A_226, %cond3A_227 : i32
      scf.if %cond3A_228 {
        %add3A_301 = arith.constant 2 : i32
        %add3A_302 = arith.addi %add3A_194, %add3A_301 : i32
        %ge3A = arith.constant 5 : i32
        %ge3A_303 = arith.cmpi sge, %add3A_302, %ge3A : i32
        %convert_element_type3A_304 = arith.extui %ge3A_303 : i1 to i32
        %cond3A_305 = arith.constant 0 : i32
        %cond3A_306 = arith.cmpi ne, %convert_element_type3A_304, %cond3A_305 : i32
        scf.if %cond3A_306 {
          %add3A_320 = arith.constant 2 : i32
          %add3A_321 = arith.addi %add3A_194, %add3A_320 : i32
          %sub3A = arith.constant 5 : i32
          %sub3A_322 = arith.subi %add3A_321, %sub3A : i32
          %mul3A_323 = arith.constant 128 : i32
          %mul3A_324 = arith.muli %sub3A_322, %mul3A_323 : i32
          %add3A_325 = arith.addi %mul3A_2, %mul3A_324 : i32
          %dma_wait3A_326 = arith.constant 4 : i32
          %dma_wait3A_327 = arith.constant 0 : i32
          %dma_wait3A_328 = arith.constant 0 : i32
          %dma_wait3A_329 = tpu.memref_slice %arg6[%dma_wait3A_326, %dma_wait3A_327, %dma_wait3A_328] : memref<5x128x128xf32, #tpu.memory_space<vmem>> -> memref<1x128x128xf32, #tpu.memory_space<vmem>>
          %dma_wait3A_330 = tpu.memref_squeeze %dma_wait3A_329 : memref<1x128x128xf32, #tpu.memory_space<vmem>> -> memref<128x128xf32, #tpu.memory_space<vmem>>
          %dma_wait3A_331 = arith.constant 0 : i32
          %dma_wait3A_332 = tpu.memref_slice %arg4[%add3A_325, %dma_wait3A_331] : memref<819200x128xf32, #tpu.memory_space<hbm>> -> memref<128x128xf32, #tpu.memory_space<hbm>>
          %dma_wait3A_333 = arith.constant 0 : i32
          %dma_wait3A_334 = tpu.memref_slice %arg4[%add3A_325, %dma_wait3A_333] : memref<819200x128xf32, #tpu.memory_space<hbm>> -> memref<128x128xf32, #tpu.memory_space<hbm>>
          %dma_wait3A_335 = arith.constant 0 : i32
          %dma_wait3A_336 = arith.constant 0 : i32
          %dma_wait3A_337 = tpu.memref_slice %arg6[%dma_wait3A_326, %dma_wait3A_335, %dma_wait3A_336] : memref<5x128x128xf32, #tpu.memory_space<vmem>> -> memref<1x128x128xf32, #tpu.memory_space<vmem>>
          %dma_wait3A_338 = tpu.memref_squeeze %dma_wait3A_337 : memref<1x128x128xf32, #tpu.memory_space<vmem>> -> memref<128x128xf32, #tpu.memory_space<vmem>>
          tpu.wait_dma2 semaphore(%arg17 : memref<!tpu.dma_semaphore, #tpu.memory_space<semaphore_mem>>) src(%dma_wait3A_338 : memref<128x128xf32, #tpu.memory_space<vmem>>) dst(%dma_wait3A_334 : memref<128x128xf32, #tpu.memory_space<hbm>>)
        } else {
        }
        %add3A_307 = arith.constant 2 : i32
        %add3A_308 = arith.addi %add3A_194, %add3A_307 : i32
        %dma_start3A_309 = arith.constant 4 : i32
        %dma_start3A_310 = arith.constant 0 : i32
        %dma_start3A_311 = arith.constant 0 : i32
        %dma_start3A_312 = tpu.memref_slice %arg6[%dma_start3A_309, %dma_start3A_310, %dma_start3A_311] : memref<5x128x128xf32, #tpu.memory_space<vmem>> -> memref<1x128x128xf32, #tpu.memory_space<vmem>>
        %dma_start3A_313 = tpu.memref_squeeze %dma_start3A_312 : memref<1x128x128xf32, #tpu.memory_space<vmem>> -> memref<128x128xf32, #tpu.memory_space<vmem>>
        %dma_start3A_314 = arith.constant 0 : i32
        %dma_start3A_315 = tpu.memref_slice %arg5[%add3A_308, %dma_start3A_314] : memref<200x128xi32, #tpu.memory_space<vmem>> -> memref<1x128xi32, #tpu.memory_space<vmem>>
        %dma_start3A_316 = tpu.memref_squeeze %dma_start3A_315 : memref<1x128xi32, #tpu.memory_space<vmem>> -> memref<128xi32, #tpu.memory_space<vmem>>
        %dma_start3A_317 = arith.constant 0 : i32
        %dma_start3A_318 = arith.constant 0 : i32
        %dma_start3A_319 = tpu.memref_slice %arg2[%dma_start3A_317, %dma_start3A_318] : memref<100000x128xf32, #tpu.memory_space<hbm>> -> memref<100000x128xf32, #tpu.memory_space<hbm>>
        tpu.enqueue_indirect_dma source(%dma_start3A_319 : memref<100000x128xf32, #tpu.memory_space<hbm>>) target(%dma_start3A_313 : memref<128x128xf32, #tpu.memory_space<vmem>>) offsets(%dma_start3A_316 : memref<128xi32, #tpu.memory_space<vmem>>) semaphore(%arg12 : memref<!tpu.dma_semaphore, #tpu.memory_space<semaphore_mem>>)
      } else {
      }
      %add3A_229 = arith.constant 3 : i32
      %add3A_230 = arith.addi %mul3A_123, %add3A_229 : i32
      %dma_wait3A_231 = arith.constant 3 : i32
      %dma_wait3A_232 = arith.constant 0 : i32
      %dma_wait3A_233 = arith.constant 0 : i32
      %dma_wait3A_234 = tpu.memref_slice %arg6[%dma_wait3A_231, %dma_wait3A_232, %dma_wait3A_233] : memref<5x128x128xf32, #tpu.memory_space<vmem>> -> memref<1x128x128xf32, #tpu.memory_space<vmem>>
      %dma_wait3A_235 = tpu.memref_squeeze %dma_wait3A_234 : memref<1x128x128xf32, #tpu.memory_space<vmem>> -> memref<128x128xf32, #tpu.memory_space<vmem>>
      %dma_wait3A_236 = arith.constant 0 : i32
      %dma_wait3A_237 = tpu.memref_slice %arg5[%add3A_230, %dma_wait3A_236] : memref<200x128xi32, #tpu.memory_space<vmem>> -> memref<1x128xi32, #tpu.memory_space<vmem>>
      %dma_wait3A_238 = tpu.memref_squeeze %dma_wait3A_237 : memref<1x128xi32, #tpu.memory_space<vmem>> -> memref<128xi32, #tpu.memory_space<vmem>>
      %dma_wait3A_239 = arith.constant 0 : i32
      %dma_wait3A_240 = arith.constant 0 : i32
      %dma_wait3A_241 = tpu.memref_slice %arg2[%dma_wait3A_239, %dma_wait3A_240] : memref<100000x128xf32, #tpu.memory_space<hbm>> -> memref<100000x128xf32, #tpu.memory_space<hbm>>
      tpu.wait_indirect_dma semaphore(%arg11 : memref<!tpu.dma_semaphore, #tpu.memory_space<semaphore_mem>>) src(%dma_wait3A_241 : memref<100000x128xf32, #tpu.memory_space<hbm>>) dst(%dma_wait3A_235 : memref<128x128xf32, #tpu.memory_space<vmem>>)
      %mul3A_242 = arith.constant 128 : i32
      %mul3A_243 = arith.muli %add3A_230, %mul3A_242 : i32
      %add3A_244 = arith.addi %mul3A_2, %mul3A_243 : i32
      %dma_start3A_245 = arith.constant 3 : i32
      %dma_start3A_246 = arith.constant 0 : i32
      %dma_start3A_247 = arith.constant 0 : i32
      %dma_start3A_248 = tpu.memref_slice %arg6[%dma_start3A_245, %dma_start3A_246, %dma_start3A_247] : memref<5x128x128xf32, #tpu.memory_space<vmem>> -> memref<1x128x128xf32, #tpu.memory_space<vmem>>
      %dma_start3A_249 = tpu.memref_squeeze %dma_start3A_248 : memref<1x128x128xf32, #tpu.memory_space<vmem>> -> memref<128x128xf32, #tpu.memory_space<vmem>>
      %dma_start3A_250 = arith.constant 0 : i32
      %dma_start3A_251 = tpu.memref_slice %arg4[%add3A_244, %dma_start3A_250] : memref<819200x128xf32, #tpu.memory_space<hbm>> -> memref<128x128xf32, #tpu.memory_space<hbm>>
      %dma_start3A_252 = arith.constant 0 : i32
      %dma_start3A_253 = tpu.memref_slice %arg4[%add3A_244, %dma_start3A_252] : memref<819200x128xf32, #tpu.memory_space<hbm>> -> memref<128x128xf32, #tpu.memory_space<hbm>>
      %dma_start3A_254 = arith.constant 0 : i32
      %dma_start3A_255 = arith.constant 0 : i32
      %dma_start3A_256 = tpu.memref_slice %arg6[%dma_start3A_245, %dma_start3A_254, %dma_start3A_255] : memref<5x128x128xf32, #tpu.memory_space<vmem>> -> memref<1x128x128xf32, #tpu.memory_space<vmem>>
      %dma_start3A_257 = tpu.memref_squeeze %dma_start3A_256 : memref<1x128x128xf32, #tpu.memory_space<vmem>> -> memref<128x128xf32, #tpu.memory_space<vmem>>
      tpu.enqueue_dma source(%dma_start3A_257 : memref<128x128xf32, #tpu.memory_space<vmem>>) target(%dma_start3A_253 : memref<128x128xf32, #tpu.memory_space<hbm>>) target_semaphore(%arg16 : memref<!tpu.dma_semaphore, #tpu.memory_space<semaphore_mem>>)
      %add3A_258 = arith.constant 2 : i32
      %add3A_259 = arith.addi %add3A_230, %add3A_258 : i32
      %lt3A_260 = arith.constant 200 : i32
      %lt3A_261 = arith.cmpi slt, %add3A_259, %lt3A_260 : i32
      %convert_element_type3A_262 = arith.extui %lt3A_261 : i1 to i32
      %cond3A_263 = arith.constant 0 : i32
      %cond3A_264 = arith.cmpi ne, %convert_element_type3A_262, %cond3A_263 : i32
      scf.if %cond3A_264 {
        %add3A_301 = arith.constant 2 : i32
        %add3A_302 = arith.addi %add3A_230, %add3A_301 : i32
        %ge3A = arith.constant 5 : i32
        %ge3A_303 = arith.cmpi sge, %add3A_302, %ge3A : i32
        %convert_element_type3A_304 = arith.extui %ge3A_303 : i1 to i32
        %cond3A_305 = arith.constant 0 : i32
        %cond3A_306 = arith.cmpi ne, %convert_element_type3A_304, %cond3A_305 : i32
        scf.if %cond3A_306 {
          %add3A_320 = arith.constant 2 : i32
          %add3A_321 = arith.addi %add3A_230, %add3A_320 : i32
          %sub3A = arith.constant 5 : i32
          %sub3A_322 = arith.subi %add3A_321, %sub3A : i32
          %mul3A_323 = arith.constant 128 : i32
          %mul3A_324 = arith.muli %sub3A_322, %mul3A_323 : i32
          %add3A_325 = arith.addi %mul3A_2, %mul3A_324 : i32
          %dma_wait3A_326 = arith.constant 0 : i32
          %dma_wait3A_327 = arith.constant 0 : i32
          %dma_wait3A_328 = arith.constant 0 : i32
          %dma_wait3A_329 = tpu.memref_slice %arg6[%dma_wait3A_326, %dma_wait3A_327, %dma_wait3A_328] : memref<5x128x128xf32, #tpu.memory_space<vmem>> -> memref<1x128x128xf32, #tpu.memory_space<vmem>>
          %dma_wait3A_330 = tpu.memref_squeeze %dma_wait3A_329 : memref<1x128x128xf32, #tpu.memory_space<vmem>> -> memref<128x128xf32, #tpu.memory_space<vmem>>
          %dma_wait3A_331 = arith.constant 0 : i32
          %dma_wait3A_332 = tpu.memref_slice %arg4[%add3A_325, %dma_wait3A_331] : memref<819200x128xf32, #tpu.memory_space<hbm>> -> memref<128x128xf32, #tpu.memory_space<hbm>>
          %dma_wait3A_333 = arith.constant 0 : i32
          %dma_wait3A_334 = tpu.memref_slice %arg4[%add3A_325, %dma_wait3A_333] : memref<819200x128xf32, #tpu.memory_space<hbm>> -> memref<128x128xf32, #tpu.memory_space<hbm>>
          %dma_wait3A_335 = arith.constant 0 : i32
          %dma_wait3A_336 = arith.constant 0 : i32
          %dma_wait3A_337 = tpu.memref_slice %arg6[%dma_wait3A_326, %dma_wait3A_335, %dma_wait3A_336] : memref<5x128x128xf32, #tpu.memory_space<vmem>> -> memref<1x128x128xf32, #tpu.memory_space<vmem>>
          %dma_wait3A_338 = tpu.memref_squeeze %dma_wait3A_337 : memref<1x128x128xf32, #tpu.memory_space<vmem>> -> memref<128x128xf32, #tpu.memory_space<vmem>>
          tpu.wait_dma2 semaphore(%arg13 : memref<!tpu.dma_semaphore, #tpu.memory_space<semaphore_mem>>) src(%dma_wait3A_338 : memref<128x128xf32, #tpu.memory_space<vmem>>) dst(%dma_wait3A_334 : memref<128x128xf32, #tpu.memory_space<hbm>>)
        } else {
        }
        %add3A_307 = arith.constant 2 : i32
        %add3A_308 = arith.addi %add3A_230, %add3A_307 : i32
        %dma_start3A_309 = arith.constant 0 : i32
        %dma_start3A_310 = arith.constant 0 : i32
        %dma_start3A_311 = arith.constant 0 : i32
        %dma_start3A_312 = tpu.memref_slice %arg6[%dma_start3A_309, %dma_start3A_310, %dma_start3A_311] : memref<5x128x128xf32, #tpu.memory_space<vmem>> -> memref<1x128x128xf32, #tpu.memory_space<vmem>>
        %dma_start3A_313 = tpu.memref_squeeze %dma_start3A_312 : memref<1x128x128xf32, #tpu.memory_space<vmem>> -> memref<128x128xf32, #tpu.memory_space<vmem>>
        %dma_start3A_314 = arith.constant 0 : i32
        %dma_start3A_315 = tpu.memref_slice %arg5[%add3A_308, %dma_start3A_314] : memref<200x128xi32, #tpu.memory_space<vmem>> -> memref<1x128xi32, #tpu.memory_space<vmem>>
        %dma_start3A_316 = tpu.memref_squeeze %dma_start3A_315 : memref<1x128xi32, #tpu.memory_space<vmem>> -> memref<128xi32, #tpu.memory_space<vmem>>
        %dma_start3A_317 = arith.constant 0 : i32
        %dma_start3A_318 = arith.constant 0 : i32
        %dma_start3A_319 = tpu.memref_slice %arg2[%dma_start3A_317, %dma_start3A_318] : memref<100000x128xf32, #tpu.memory_space<hbm>> -> memref<100000x128xf32, #tpu.memory_space<hbm>>
        tpu.enqueue_indirect_dma source(%dma_start3A_319 : memref<100000x128xf32, #tpu.memory_space<hbm>>) target(%dma_start3A_313 : memref<128x128xf32, #tpu.memory_space<vmem>>) offsets(%dma_start3A_316 : memref<128xi32, #tpu.memory_space<vmem>>) semaphore(%arg8 : memref<!tpu.dma_semaphore, #tpu.memory_space<semaphore_mem>>)
      } else {
      }
      %add3A_265 = arith.constant 4 : i32
      %add3A_266 = arith.addi %mul3A_123, %add3A_265 : i32
      %dma_wait3A_267 = arith.constant 4 : i32
      %dma_wait3A_268 = arith.constant 0 : i32
      %dma_wait3A_269 = arith.constant 0 : i32
      %dma_wait3A_270 = tpu.memref_slice %arg6[%dma_wait3A_267, %dma_wait3A_268, %dma_wait3A_269] : memref<5x128x128xf32, #tpu.memory_space<vmem>> -> memref<1x128x128xf32, #tpu.memory_space<vmem>>
      %dma_wait3A_271 = tpu.memref_squeeze %dma_wait3A_270 : memref<1x128x128xf32, #tpu.memory_space<vmem>> -> memref<128x128xf32, #tpu.memory_space<vmem>>
      %dma_wait3A_272 = arith.constant 0 : i32
      %dma_wait3A_273 = tpu.memref_slice %arg5[%add3A_266, %dma_wait3A_272] : memref<200x128xi32, #tpu.memory_space<vmem>> -> memref<1x128xi32, #tpu.memory_space<vmem>>
      %dma_wait3A_274 = tpu.memref_squeeze %dma_wait3A_273 : memref<1x128xi32, #tpu.memory_space<vmem>> -> memref<128xi32, #tpu.memory_space<vmem>>
      %dma_wait3A_275 = arith.constant 0 : i32
      %dma_wait3A_276 = arith.constant 0 : i32
      %dma_wait3A_277 = tpu.memref_slice %arg2[%dma_wait3A_275, %dma_wait3A_276] : memref<100000x128xf32, #tpu.memory_space<hbm>> -> memref<100000x128xf32, #tpu.memory_space<hbm>>
      tpu.wait_indirect_dma semaphore(%arg12 : memref<!tpu.dma_semaphore, #tpu.memory_space<semaphore_mem>>) src(%dma_wait3A_277 : memref<100000x128xf32, #tpu.memory_space<hbm>>) dst(%dma_wait3A_271 : memref<128x128xf32, #tpu.memory_space<vmem>>)
      %mul3A_278 = arith.constant 128 : i32
      %mul3A_279 = arith.muli %add3A_266, %mul3A_278 : i32
      %add3A_280 = arith.addi %mul3A_2, %mul3A_279 : i32
      %dma_start3A_281 = arith.constant 4 : i32
      %dma_start3A_282 = arith.constant 0 : i32
      %dma_start3A_283 = arith.constant 0 : i32
      %dma_start3A_284 = tpu.memref_slice %arg6[%dma_start3A_281, %dma_start3A_282, %dma_start3A_283] : memref<5x128x128xf32, #tpu.memory_space<vmem>> -> memref<1x128x128xf32, #tpu.memory_space<vmem>>
      %dma_start3A_285 = tpu.memref_squeeze %dma_start3A_284 : memref<1x128x128xf32, #tpu.memory_space<vmem>> -> memref<128x128xf32, #tpu.memory_space<vmem>>
      %dma_start3A_286 = arith.constant 0 : i32
      %dma_start3A_287 = tpu.memref_slice %arg4[%add3A_280, %dma_start3A_286] : memref<819200x128xf32, #tpu.memory_space<hbm>> -> memref<128x128xf32, #tpu.memory_space<hbm>>
      %dma_start3A_288 = arith.constant 0 : i32
      %dma_start3A_289 = tpu.memref_slice %arg4[%add3A_280, %dma_start3A_288] : memref<819200x128xf32, #tpu.memory_space<hbm>> -> memref<128x128xf32, #tpu.memory_space<hbm>>
      %dma_start3A_290 = arith.constant 0 : i32
      %dma_start3A_291 = arith.constant 0 : i32
      %dma_start3A_292 = tpu.memref_slice %arg6[%dma_start3A_281, %dma_start3A_290, %dma_start3A_291] : memref<5x128x128xf32, #tpu.memory_space<vmem>> -> memref<1x128x128xf32, #tpu.memory_space<vmem>>
      %dma_start3A_293 = tpu.memref_squeeze %dma_start3A_292 : memref<1x128x128xf32, #tpu.memory_space<vmem>> -> memref<128x128xf32, #tpu.memory_space<vmem>>
      tpu.enqueue_dma source(%dma_start3A_293 : memref<128x128xf32, #tpu.memory_space<vmem>>) target(%dma_start3A_289 : memref<128x128xf32, #tpu.memory_space<hbm>>) target_semaphore(%arg17 : memref<!tpu.dma_semaphore, #tpu.memory_space<semaphore_mem>>)
      %add3A_294 = arith.constant 2 : i32
      %add3A_295 = arith.addi %add3A_266, %add3A_294 : i32
      %lt3A_296 = arith.constant 200 : i32
      %lt3A_297 = arith.cmpi slt, %add3A_295, %lt3A_296 : i32
      %convert_element_type3A_298 = arith.extui %lt3A_297 : i1 to i32
      %cond3A_299 = arith.constant 0 : i32
      %cond3A_300 = arith.cmpi ne, %convert_element_type3A_298, %cond3A_299 : i32
      scf.if %cond3A_300 {
        %add3A_301 = arith.constant 2 : i32
        %add3A_302 = arith.addi %add3A_266, %add3A_301 : i32
        %ge3A = arith.constant 5 : i32
        %ge3A_303 = arith.cmpi sge, %add3A_302, %ge3A : i32
        %convert_element_type3A_304 = arith.extui %ge3A_303 : i1 to i32
        %cond3A_305 = arith.constant 0 : i32
        %cond3A_306 = arith.cmpi ne, %convert_element_type3A_304, %cond3A_305 : i32
        scf.if %cond3A_306 {
          %add3A_320 = arith.constant 2 : i32
          %add3A_321 = arith.addi %add3A_266, %add3A_320 : i32
          %sub3A = arith.constant 5 : i32
          %sub3A_322 = arith.subi %add3A_321, %sub3A : i32
          %mul3A_323 = arith.constant 128 : i32
          %mul3A_324 = arith.muli %sub3A_322, %mul3A_323 : i32
          %add3A_325 = arith.addi %mul3A_2, %mul3A_324 : i32
          %dma_wait3A_326 = arith.constant 1 : i32
          %dma_wait3A_327 = arith.constant 0 : i32
          %dma_wait3A_328 = arith.constant 0 : i32
          %dma_wait3A_329 = tpu.memref_slice %arg6[%dma_wait3A_326, %dma_wait3A_327, %dma_wait3A_328] : memref<5x128x128xf32, #tpu.memory_space<vmem>> -> memref<1x128x128xf32, #tpu.memory_space<vmem>>
          %dma_wait3A_330 = tpu.memref_squeeze %dma_wait3A_329 : memref<1x128x128xf32, #tpu.memory_space<vmem>> -> memref<128x128xf32, #tpu.memory_space<vmem>>
          %dma_wait3A_331 = arith.constant 0 : i32
          %dma_wait3A_332 = tpu.memref_slice %arg4[%add3A_325, %dma_wait3A_331] : memref<819200x128xf32, #tpu.memory_space<hbm>> -> memref<128x128xf32, #tpu.memory_space<hbm>>
          %dma_wait3A_333 = arith.constant 0 : i32
          %dma_wait3A_334 = tpu.memref_slice %arg4[%add3A_325, %dma_wait3A_333] : memref<819200x128xf32, #tpu.memory_space<hbm>> -> memref<128x128xf32, #tpu.memory_space<hbm>>
          %dma_wait3A_335 = arith.constant 0 : i32
          %dma_wait3A_336 = arith.constant 0 : i32
          %dma_wait3A_337 = tpu.memref_slice %arg6[%dma_wait3A_326, %dma_wait3A_335, %dma_wait3A_336] : memref<5x128x128xf32, #tpu.memory_space<vmem>> -> memref<1x128x128xf32, #tpu.memory_space<vmem>>
          %dma_wait3A_338 = tpu.memref_squeeze %dma_wait3A_337 : memref<1x128x128xf32, #tpu.memory_space<vmem>> -> memref<128x128xf32, #tpu.memory_space<vmem>>
          tpu.wait_dma2 semaphore(%arg14 : memref<!tpu.dma_semaphore, #tpu.memory_space<semaphore_mem>>) src(%dma_wait3A_338 : memref<128x128xf32, #tpu.memory_space<vmem>>) dst(%dma_wait3A_334 : memref<128x128xf32, #tpu.memory_space<hbm>>)
        } else {
        }
        %add3A_307 = arith.constant 2 : i32
        %add3A_308 = arith.addi %add3A_266, %add3A_307 : i32
        %dma_start3A_309 = arith.constant 1 : i32
        %dma_start3A_310 = arith.constant 0 : i32
        %dma_start3A_311 = arith.constant 0 : i32
        %dma_start3A_312 = tpu.memref_slice %arg6[%dma_start3A_309, %dma_start3A_310, %dma_start3A_311] : memref<5x128x128xf32, #tpu.memory_space<vmem>> -> memref<1x128x128xf32, #tpu.memory_space<vmem>>
        %dma_start3A_313 = tpu.memref_squeeze %dma_start3A_312 : memref<1x128x128xf32, #tpu.memory_space<vmem>> -> memref<128x128xf32, #tpu.memory_space<vmem>>
        %dma_start3A_314 = arith.constant 0 : i32
        %dma_start3A_315 = tpu.memref_slice %arg5[%add3A_308, %dma_start3A_314] : memref<200x128xi32, #tpu.memory_space<vmem>> -> memref<1x128xi32, #tpu.memory_space<vmem>>
        %dma_start3A_316 = tpu.memref_squeeze %dma_start3A_315 : memref<1x128xi32, #tpu.memory_space<vmem>> -> memref<128xi32, #tpu.memory_space<vmem>>
        %dma_start3A_317 = arith.constant 0 : i32
        %dma_start3A_318 = arith.constant 0 : i32
        %dma_start3A_319 = tpu.memref_slice %arg2[%dma_start3A_317, %dma_start3A_318] : memref<100000x128xf32, #tpu.memory_space<hbm>> -> memref<100000x128xf32, #tpu.memory_space<hbm>>
        tpu.enqueue_indirect_dma source(%dma_start3A_319 : memref<100000x128xf32, #tpu.memory_space<hbm>>) target(%dma_start3A_313 : memref<128x128xf32, #tpu.memory_space<vmem>>) offsets(%dma_start3A_316 : memref<128xi32, #tpu.memory_space<vmem>>) semaphore(%arg9 : memref<!tpu.dma_semaphore, #tpu.memory_space<semaphore_mem>>)
      } else {
      }
    }
    %scan3A_45 = arith.constant 40 : i32
    %add3A_46 = arith.constant 24960 : i32
    %add3A_47 = arith.addi %mul3A_2, %add3A_46 : i32
    %dma_wait3A_48 = arith.constant 0 : i32
    %dma_wait3A_49 = arith.constant 0 : i32
    %dma_wait3A_50 = arith.constant 0 : i32
    %dma_wait3A_51 = tpu.memref_slice %arg6[%dma_wait3A_48, %dma_wait3A_49, %dma_wait3A_50] : memref<5x128x128xf32, #tpu.memory_space<vmem>> -> memref<1x128x128xf32, #tpu.memory_space<vmem>>
    %dma_wait3A_52 = tpu.memref_squeeze %dma_wait3A_51 : memref<1x128x128xf32, #tpu.memory_space<vmem>> -> memref<128x128xf32, #tpu.memory_space<vmem>>
    %dma_wait3A_53 = arith.constant 0 : i32
    %dma_wait3A_54 = tpu.memref_slice %arg4[%add3A_47, %dma_wait3A_53] : memref<819200x128xf32, #tpu.memory_space<hbm>> -> memref<128x128xf32, #tpu.memory_space<hbm>>
    %dma_wait3A_55 = arith.constant 0 : i32
    %dma_wait3A_56 = tpu.memref_slice %arg4[%add3A_47, %dma_wait3A_55] : memref<819200x128xf32, #tpu.memory_space<hbm>> -> memref<128x128xf32, #tpu.memory_space<hbm>>
    %dma_wait3A_57 = arith.constant 0 : i32
    %dma_wait3A_58 = arith.constant 0 : i32
    %dma_wait3A_59 = tpu.memref_slice %arg6[%dma_wait3A_48, %dma_wait3A_57, %dma_wait3A_58] : memref<5x128x128xf32, #tpu.memory_space<vmem>> -> memref<1x128x128xf32, #tpu.memory_space<vmem>>
    %dma_wait3A_60 = tpu.memref_squeeze %dma_wait3A_59 : memref<1x128x128xf32, #tpu.memory_space<vmem>> -> memref<128x128xf32, #tpu.memory_space<vmem>>
    tpu.wait_dma2 semaphore(%arg13 : memref<!tpu.dma_semaphore, #tpu.memory_space<semaphore_mem>>) src(%dma_wait3A_60 : memref<128x128xf32, #tpu.memory_space<vmem>>) dst(%dma_wait3A_56 : memref<128x128xf32, #tpu.memory_space<hbm>>)
    %add3A_61 = arith.constant 25088 : i32
    %add3A_62 = arith.addi %mul3A_2, %add3A_61 : i32
    %dma_wait3A_63 = arith.constant 1 : i32
    %dma_wait3A_64 = arith.constant 0 : i32
    %dma_wait3A_65 = arith.constant 0 : i32
    %dma_wait3A_66 = tpu.memref_slice %arg6[%dma_wait3A_63, %dma_wait3A_64, %dma_wait3A_65] : memref<5x128x128xf32, #tpu.memory_space<vmem>> -> memref<1x128x128xf32, #tpu.memory_space<vmem>>
    %dma_wait3A_67 = tpu.memref_squeeze %dma_wait3A_66 : memref<1x128x128xf32, #tpu.memory_space<vmem>> -> memref<128x128xf32, #tpu.memory_space<vmem>>
    %dma_wait3A_68 = arith.constant 0 : i32
    %dma_wait3A_69 = tpu.memref_slice %arg4[%add3A_62, %dma_wait3A_68] : memref<819200x128xf32, #tpu.memory_space<hbm>> -> memref<128x128xf32, #tpu.memory_space<hbm>>
    %dma_wait3A_70 = arith.constant 0 : i32
    %dma_wait3A_71 = tpu.memref_slice %arg4[%add3A_62, %dma_wait3A_70] : memref<819200x128xf32, #tpu.memory_space<hbm>> -> memref<128x128xf32, #tpu.memory_space<hbm>>
    %dma_wait3A_72 = arith.constant 0 : i32
    %dma_wait3A_73 = arith.constant 0 : i32
    %dma_wait3A_74 = tpu.memref_slice %arg6[%dma_wait3A_63, %dma_wait3A_72, %dma_wait3A_73] : memref<5x128x128xf32, #tpu.memory_space<vmem>> -> memref<1x128x128xf32, #tpu.memory_space<vmem>>
    %dma_wait3A_75 = tpu.memref_squeeze %dma_wait3A_74 : memref<1x128x128xf32, #tpu.memory_space<vmem>> -> memref<128x128xf32, #tpu.memory_space<vmem>>
    tpu.wait_dma2 semaphore(%arg14 : memref<!tpu.dma_semaphore, #tpu.memory_space<semaphore_mem>>) src(%dma_wait3A_75 : memref<128x128xf32, #tpu.memory_space<vmem>>) dst(%dma_wait3A_71 : memref<128x128xf32, #tpu.memory_space<hbm>>)
    %add3A_76 = arith.constant 25216 : i32
    %add3A_77 = arith.addi %mul3A_2, %add3A_76 : i32
    %dma_wait3A_78 = arith.constant 2 : i32
    %dma_wait3A_79 = arith.constant 0 : i32
    %dma_wait3A_80 = arith.constant 0 : i32
    %dma_wait3A_81 = tpu.memref_slice %arg6[%dma_wait3A_78, %dma_wait3A_79, %dma_wait3A_80] : memref<5x128x128xf32, #tpu.memory_space<vmem>> -> memref<1x128x128xf32, #tpu.memory_space<vmem>>
    %dma_wait3A_82 = tpu.memref_squeeze %dma_wait3A_81 : memref<1x128x128xf32, #tpu.memory_space<vmem>> -> memref<128x128xf32, #tpu.memory_space<vmem>>
    %dma_wait3A_83 = arith.constant 0 : i32
    %dma_wait3A_84 = tpu.memref_slice %arg4[%add3A_77, %dma_wait3A_83] : memref<819200x128xf32, #tpu.memory_space<hbm>> -> memref<128x128xf32, #tpu.memory_space<hbm>>
    %dma_wait3A_85 = arith.constant 0 : i32
    %dma_wait3A_86 = tpu.memref_slice %arg4[%add3A_77, %dma_wait3A_85] : memref<819200x128xf32, #tpu.memory_space<hbm>> -> memref<128x128xf32, #tpu.memory_space<hbm>>
    %dma_wait3A_87 = arith.constant 0 : i32
    %dma_wait3A_88 = arith.constant 0 : i32
    %dma_wait3A_89 = tpu.memref_slice %arg6[%dma_wait3A_78, %dma_wait3A_87, %dma_wait3A_88] : memref<5x128x128xf32, #tpu.memory_space<vmem>> -> memref<1x128x128xf32, #tpu.memory_space<vmem>>
    %dma_wait3A_90 = tpu.memref_squeeze %dma_wait3A_89 : memref<1x128x128xf32, #tpu.memory_space<vmem>> -> memref<128x128xf32, #tpu.memory_space<vmem>>
    tpu.wait_dma2 semaphore(%arg15 : memref<!tpu.dma_semaphore, #tpu.memory_space<semaphore_mem>>) src(%dma_wait3A_90 : memref<128x128xf32, #tpu.memory_space<vmem>>) dst(%dma_wait3A_86 : memref<128x128xf32, #tpu.memory_space<hbm>>)
    %add3A_91 = arith.constant 25344 : i32
    %add3A_92 = arith.addi %mul3A_2, %add3A_91 : i32
    %dma_wait3A_93 = arith.constant 3 : i32
    %dma_wait3A_94 = arith.constant 0 : i32
    %dma_wait3A_95 = arith.constant 0 : i32
    %dma_wait3A_96 = tpu.memref_slice %arg6[%dma_wait3A_93, %dma_wait3A_94, %dma_wait3A_95] : memref<5x128x128xf32, #tpu.memory_space<vmem>> -> memref<1x128x128xf32, #tpu.memory_space<vmem>>
    %dma_wait3A_97 = tpu.memref_squeeze %dma_wait3A_96 : memref<1x128x128xf32, #tpu.memory_space<vmem>> -> memref<128x128xf32, #tpu.memory_space<vmem>>
    %dma_wait3A_98 = arith.constant 0 : i32
    %dma_wait3A_99 = tpu.memref_slice %arg4[%add3A_92, %dma_wait3A_98] : memref<819200x128xf32, #tpu.memory_space<hbm>> -> memref<128x128xf32, #tpu.memory_space<hbm>>
    %dma_wait3A_100 = arith.constant 0 : i32
    %dma_wait3A_101 = tpu.memref_slice %arg4[%add3A_92, %dma_wait3A_100] : memref<819200x128xf32, #tpu.memory_space<hbm>> -> memref<128x128xf32, #tpu.memory_space<hbm>>
    %dma_wait3A_102 = arith.constant 0 : i32
    %dma_wait3A_103 = arith.constant 0 : i32
    %dma_wait3A_104 = tpu.memref_slice %arg6[%dma_wait3A_93, %dma_wait3A_102, %dma_wait3A_103] : memref<5x128x128xf32, #tpu.memory_space<vmem>> -> memref<1x128x128xf32, #tpu.memory_space<vmem>>
    %dma_wait3A_105 = tpu.memref_squeeze %dma_wait3A_104 : memref<1x128x128xf32, #tpu.memory_space<vmem>> -> memref<128x128xf32, #tpu.memory_space<vmem>>
    tpu.wait_dma2 semaphore(%arg16 : memref<!tpu.dma_semaphore, #tpu.memory_space<semaphore_mem>>) src(%dma_wait3A_105 : memref<128x128xf32, #tpu.memory_space<vmem>>) dst(%dma_wait3A_101 : memref<128x128xf32, #tpu.memory_space<hbm>>)
    %add3A_106 = arith.constant 25472 : i32
    %add3A_107 = arith.addi %mul3A_2, %add3A_106 : i32
    %dma_wait3A_108 = arith.constant 4 : i32
    %dma_wait3A_109 = arith.constant 0 : i32
    %dma_wait3A_110 = arith.constant 0 : i32
    %dma_wait3A_111 = tpu.memref_slice %arg6[%dma_wait3A_108, %dma_wait3A_109, %dma_wait3A_110] : memref<5x128x128xf32, #tpu.memory_space<vmem>> -> memref<1x128x128xf32, #tpu.memory_space<vmem>>
    %dma_wait3A_112 = tpu.memref_squeeze %dma_wait3A_111 : memref<1x128x128xf32, #tpu.memory_space<vmem>> -> memref<128x128xf32, #tpu.memory_space<vmem>>
    %dma_wait3A_113 = arith.constant 0 : i32
    %dma_wait3A_114 = tpu.memref_slice %arg4[%add3A_107, %dma_wait3A_113] : memref<819200x128xf32, #tpu.memory_space<hbm>> -> memref<128x128xf32, #tpu.memory_space<hbm>>
    %dma_wait3A_115 = arith.constant 0 : i32
    %dma_wait3A_116 = tpu.memref_slice %arg4[%add3A_107, %dma_wait3A_115] : memref<819200x128xf32, #tpu.memory_space<hbm>> -> memref<128x128xf32, #tpu.memory_space<hbm>>
    %dma_wait3A_117 = arith.constant 0 : i32
    %dma_wait3A_118 = arith.constant 0 : i32
    %dma_wait3A_119 = tpu.memref_slice %arg6[%dma_wait3A_108, %dma_wait3A_117, %dma_wait3A_118] : memref<5x128x128xf32, #tpu.memory_space<vmem>> -> memref<1x128x128xf32, #tpu.memory_space<vmem>>
    %dma_wait3A_120 = tpu.memref_squeeze %dma_wait3A_119 : memref<1x128x128xf32, #tpu.memory_space<vmem>> -> memref<128x128xf32, #tpu.memory_space<vmem>>
    tpu.wait_dma2 semaphore(%arg17 : memref<!tpu.dma_semaphore, #tpu.memory_space<semaphore_mem>>) src(%dma_wait3A_120 : memref<128x128xf32, #tpu.memory_space<vmem>>) dst(%dma_wait3A_116 : memref<128x128xf32, #tpu.memory_space<hbm>>)
    return
  }
}

</mosaic_0001>

<sc_bundles>
// kernel: kernel.3.cloned.1.call-start
scs
__scs_entry_jumppad:
0x0: {  	(pc) =	sbr.rel $0x88, $3  }
0x1: {  	(tag) =	ssettag $0x0;
	lr =	simm.s32 $0x1  }
0x2: {  	[smem:$0x3F9F] =	sst lr;
	_ =	strace $0xD0000000  }
0x3: {  	_ = 	snop  }
0x4: {  	_ = 	snop  }
0x5: {  	_ = 	snop  }
0x6: {  	_ = 	snop  }
0x7: {  	_ = 	snop  }
__scs_overlays_trampoline_lowered:
0x8: {  	[smem:$0x3FAE] =	sst s0  }
0x9: {  	[smem:$0x3FAF] =	sst s1  }
0xa: {  	[smem:$0x3FB0] =	sst s2  }
0xb: {  	[smem:$0x3FB1] =	sst s3  }
0xc: {  	[smem:$0x3FB2] =	sst s4  }
0xd: {  	[smem:$0x3FB3] =	sst s5  }
0xe: {  	[smem:$0x3FB4] =	sst s6  }
0xf: {  	[smem:$0x3FB5] =	sst s7  }
0x10: {  	[smem:$0x3FB6] =	sst s8  }
0x11: {  	[smem:$0x3FB7] =	sst s9;
	s0 =	simm.s32 @!p0 $0x0  }
0x12: {  	s1 =	sld [smem:$0x3F9D];
	s0 =	simm.s32 @p0 $0x1  }
0x13: {  	[smem:$0x3FB8] =	sst s0;
	s0 =	simm.s32 @!p1 $0x0  }
0x14: {  	s2 =	sld [smem:$0x3F9C];
	s0 =	simm.s32 @p1 $0x1  }
0x15: {  	[smem:$0x3FB9] =	sst s0;
	s0 =	simm.s32 @!p2 $0x0  }
0x16: {  	s3 =	sld [smem:$0x3FDB];
	s0 =	simm.s32 @p2 $0x1  }
0x17: {  	s4 =	simm.s32 $0x1BF5;
	[smem:$0x3FBB] =	sst s0  }
0x18: {  	s0 =	sld [smem:$0x3F9E];
	_ =	swait.ge [sflag:s4], $0x0  }
0x19: {  	s7 =	sld [smem:$0x3F9F]  }
0x1a: {  	s8 =	sadd.s32 $0xFFFFE003, lr  }
0x1b: {  	s9 =	sadd.s32 $0xFFFFFEF7, lr;
	s5 =	simm.s32 $0xFFFFFFFF;
	p2 =	slt.u32 s8, $0xFFFFF086  }
0x1c: {  	p1 =	slt.u32 s9, $0xF7A;
	s5 =	simm.s32 @!p2 $0x0  }
0x1d: {  	s5 =	simm.s32 @p1 $0x1;
	p0 =	seq.s32 s7, s2  }
0x1e: {  	s7 =	smul.u32 @!p0 $0xF7A, s2;
	p2 =	seq.s32 @!p0 s5, $0x0  }
0x1f: {  	s9 =	smul.u32 $0xF7A, s1;
	s8 =	simm.s32 @!p0 $0x1BF5;
	p2 =	por !p2, p0  }
0x20: {  	[sflag:s8] =	ssyncset.s32 @!p0 $0xFFFFF086;
	s6 =	sadd.s32 @!p0 s3, s7;
	s7 =	simm.s32 @!p0 $0x108  }
0x21: {  	s3 =	sadd.s32 s3, s9;
	s6 =	sadd.s32 @!p0 $0x88, s6;
	s7 =	simm.s32 @p2 $0x1082  }
0x22: {  	[simem:s7], [sflag:s8] =	dma.local @!p0 [hbm:s6], $0xF7A  }
0x23: {  	s9 =	sor.u32 $0xD0000000, s2;
	s6 =	simm.s32 $0x108;
	_ =	swait.ge @!p0 [sflag:s8], $0x0  }
0x24: {  	s3 =	sadd.s32 $0x88, s3;
	s6 =	simm.s32 @!p1 $0x1082;
	[sflag:s4] =	ssyncset.s32 $0xFFFFF086  }
0x25: {  	[simem:s6], [sflag:s4] =	dma.local [hbm:s3], $0xF7A  }
0x26: {  	[smem:$0x3F9F] =	sst s1;
	(tag) =	ssettag s2;
	_ =	strace s9  }
0x27: {  	s1 =	sld [smem:$0x3FAF]  }
0x28: {  	s2 =	sld [smem:$0x3FB0]  }
0x29: {  	s4 =	sld [smem:$0x3FB2]  }
0x2a: {  	p0 =	seq.s32 s5, $0x0;
	s5 =	sld [smem:$0x3FB3]  }
0x2b: {  	s6 =	sld [smem:$0x3FB4]  }
0x2c: {  	s7 =	sld [smem:$0x3FB5]  }
0x2d: {  	s3 =	simm.s32 $0x108;
	s8 =	sld [smem:$0x3FB6]  }
0x2e: {  	s3 =	simm.s32 @!p0 $0x1082;
	s9 =	sld [smem:$0x3FB7]  }
0x2f: {  	lr =	sadd.s32 s0, s3;
	s0 =	sld [smem:$0x3FAE]  }
0x30: {  	s3 =	sld [smem:$0x3FB1]  }
0x31: {  	[smem:$0x3FBA] =	sst s10  }
0x32: {  	s10 =	sld [smem:$0x3FB8];
	_ =	sdelay $0x3  }
0x33: {  	p0 =	seq.s32 s10, $0x1;
	s10 =	sld [smem:$0x3FBA];
	_ =	sdelay $0x3  }
0x34: {  	[smem:$0x3FBA] =	sst s10  }
0x35: {  	s10 =	sld [smem:$0x3FB9];
	_ =	sdelay $0x3  }
0x36: {  	p1 =	seq.s32 s10, $0x1;
	s10 =	sld [smem:$0x3FBA];
	_ =	sdelay $0x3  }
0x37: {  	[smem:$0x3FBA] =	sst s10  }
0x38: {  	s10 =	sld [smem:$0x3FBB]  }
0x39: {  	_ = 	snop;
	(pc) =	sbr.ind lr, $3  }
0x3a: {  	_ = 	snop  }
0x3b: {  	_ = 	snop  }
0x3c: {  	p2 =	seq.s32 s10, $0x1;
	s10 =	sld [smem:$0x3FBA]  }
0x3d: {  	_ =	shalt  }
0x3e: {  	_ =	shalt  }
0x3f: {  	_ =	shalt  }
0x40: {  	_ =	shalt  }
0x41: {  	_ =	shalt  }
0x42: {  	_ =	shalt  }
0x43: {  	_ =	shalt  }
0x44: {  	_ =	shalt  }
0x45: {  	_ =	shalt  }
0x46: {  	_ =	shalt  }
0x47: {  	_ =	shalt  }
0x48: {  	_ =	shalt  }
0x49: {  	_ =	shalt  }
0x4a: {  	_ =	shalt  }
0x4b: {  	_ =	shalt  }
0x4c: {  	_ =	shalt  }
0x4d: {  	_ =	shalt  }
0x4e: {  	_ =	shalt  }
0x4f: {  	_ =	shalt  }
0x50: {  	_ =	shalt  }
0x51: {  	_ =	shalt  }
0x52: {  	_ =	shalt  }
0x53: {  	_ =	shalt  }
0x54: {  	_ =	shalt  }
0x55: {  	_ =	shalt  }
0x56: {  	_ =	shalt  }
0x57: {  	_ =	shalt  }
0x58: {  	_ =	shalt  }
0x59: {  	_ =	shalt  }
0x5a: {  	_ =	shalt  }
0x5b: {  	_ =	shalt  }
0x5c: {  	_ =	shalt  }
0x5d: {  	_ =	shalt  }
0x5e: {  	_ =	shalt  }
0x5f: {  	_ =	shalt  }
0x60: {  	_ =	shalt  }
0x61: {  	_ =	shalt  }
0x62: {  	_ =	shalt  }
0x63: {  	_ =	shalt  }
0x64: {  	_ =	shalt  }
0x65: {  	_ =	shalt  }
0x66: {  	_ =	shalt  }
0x67: {  	_ =	shalt  }
0x68: {  	_ =	shalt  }
0x69: {  	_ =	shalt  }
0x6a: {  	_ =	shalt  }
0x6b: {  	_ =	shalt  }
0x6c: {  	_ =	shalt  }
0x6d: {  	_ =	shalt  }
0x6e: {  	_ =	shalt  }
0x6f: {  	_ =	shalt  }
0x70: {  	_ =	shalt  }
0x71: {  	_ =	shalt  }
0x72: {  	_ =	shalt  }
0x73: {  	_ =	shalt  }
0x74: {  	_ =	shalt  }
0x75: {  	_ =	shalt  }
0x76: {  	_ =	shalt  }
0x77: {  	_ =	shalt  }
0x78: {  	_ =	shalt  }
0x79: {  	_ =	shalt  }
0x7a: {  	_ =	shalt  }
0x7b: {  	_ =	shalt  }
0x7c: {  	_ =	shalt  }
0x7d: {  	_ =	shalt  }
0x7e: {  	_ =	shalt  }
0x7f: {  	_ =	shalt  }
0x80: {  	_ =	shalt  }
0x81: {  	_ =	shalt  }
0x82: {  	_ =	shalt  }
0x83: {  	_ =	shalt  }
0x84: {  	_ =	shalt  }
0x85: {  	_ =	shalt  }
0x86: {  	_ =	shalt  }
0x87: {  	_ =	shalt  }
.Lfunc_end0:
.L_simem_size_0:
called_computation_lowered:
.L_overlay_start_0:
0x88: {  	s2 =	sld [smem:$0x3FD9]  }
0x89: {  	s3 =	sld [smem:$0x3FFE];
	_ =	sdelay $0x1  }
0x8a: {  	s1 =	srdreg.scid  }
0x8b: {  	s0 =	sand.u32 $0x1, s1  }
0x8c: {  	s17 =	sshll.u32 s0, $0xA;
	s2 =	sadd.s32 s3, s2  }
0x8d: {  	s2 =	sadd.s32 s2, s17  }
0x8e: {  	[smem:$0x3FC6] =	sst s2  }
0x8f: {  	_ = 	snop  }
0x90: {  	s2 =	sld [smem:$0x3FC8]  }
0x91: {  	s18 =	sld [smem:$0x3FD0];
	(tm) =	ssettm $0x1  }
0x92: {  	s4 =	sld [smem:$0x3FFB];
	_ =	sdelay $0x3  }
0x93: {  	_ =	strace s4  }
0x94: {  	s4 =	sld [smem:$0x3FFC];
	_ =	sdelay $0x3  }
0x95: {  	_ =	strace s4  }
0x96: {  	s4 =	sld [smem:$0x3FFD];
	_ =	sdelay $0x3  }
0x97: {  	_ =	strace s4  }
0x98: {  	_ =	strace $0x8FFFFFFF  }
0x99: {  	s19 =	sld [smem:$0x3FDB];
	_ =	sdelay $0x1  }
0x9a: {  	s5 =	simm.s32 $_scs_section_size  }
0x9b: {  	s6 =	simm.s32 $_size__tile_overlayer_lowered;
	s7 =	simm.s32 $_tile_overlayer_lowered  }
0x9c: {  	s22 =	simm.s32 $0x1BFF;
	s21 =	sshll.u32 s7, $0x1;
	s4 =	sadd.s32 s5, s19  }
0x9d: {  	s8 =	simm.s32 $0x0;
	s20 =	sshll.u32 s6, $0x1;
	s6 =	sadd.s32 s21, s4  }
0x9e: {  	[timem:s8], [sflag:s22] =	dma.local [hbm:s6], s20  }
0x9f: {  	_ =	swait.ge [sflag:s22], s20  }
0xa0: {  	s5 =	ssub.s32 $0x0, s20;
	[sflag:s22] =	ssyncset.done $0x0  }
0xa1: {  	[sflag:s22] =	ssyncadd.s32 s5;
	_ =	sdelay $0x1  }
0xa2: {  	s23 =	simm.s32 $0x1B8B  }
0xa3: {  	_ =	swait.ge [sflag:s23], $0x1  }
0xa4: {  	[sflag:s23] =	ssyncset.done $0x0  }
0xa5: {  	s25 =	simm.s32 $0x1B8E;
	s24 =	sld [smem:$0x3FFE];
	[sflag:s23] =	ssyncadd.s32 $0xFFFFFFFF  }
0xa6: {  	s26 =	simm.s32 $execute0_lowered;
	[smem:$0x3FD2] =	sst s25  }
0xa7: {  	s6 =	sshll.u32 s26, $0x1;
	_ =	strace $0x80000046;
	[dreg:$0x1] =	wrdreg $0xFFFFFFFF  }
0xa8: {  	s28 =	simm.s32 $_size_execute0_lowered;
	s4 =	sadd.s32 s4, s6;
	[dreg:$0x0] =	wrdreg $0x0  }
0xa9: {  	s6 =	sshll.u32 s28, $0x1;
	[dreg:$0x2] =	wrdreg s4  }
0xaa: {  	[dreg:$0x3] =	wrdreg s6  }
0xab: {  	[dreg:$0x4] =	wrdreg $0xC0  }
0xac: {  	_ =	task [dreg:s8], $0x5FFFF  }
0xad: {  	[dreg:$0x1] =	wrdreg $0xFFFFFFFF  }
0xae: {  	[dreg:$0x0] =	wrdreg $0x60  }
0xaf: {  	[dreg:$0x2] =	wrdreg s2  }
0xb0: {  	[dreg:$0x3] =	wrdreg s24  }
0xb1: {  	[dreg:$0x4] =	wrdreg s18  }
0xb2: {  	[dreg:$0x5] =	wrdreg $0x9  }
0xb3: {  	_ =	task.clear_ibuf [dreg:s8], $0x6FFFF;
	_ =	strace $0x90000046  }
0xb4: {  	s29 =	simm.s32 $0x9;
	_ =	strace $0x80000048  }
0xb5: {  	_ =	swait.ge [sflag:s29], $0x1  }
0xb6: {  	[sflag:s29] =	ssyncadd.s32 $0xFFFFFFFF  }
0xb7: {  	_ =	strace $0x90000048  }
0xb8: {  	_ =	sfence  }
0xb9: {  	s30 =	sld [smem:$0x0];
	_ =	sdelay $0x2  }
0xba: {  	s31 =	sshll.u32 s1, $0xD;
	s1 =	sshrl.u32 s1, $0x2  }
0xbb: {  	s3 =	sand.u32 $0x4000, s31;
	s1 =	sadd.s32 s1, s30  }
0xbc: {  	s0 =	sor.u32 s3, s0;
	s1 =	sshll.u32 s1, $0x11  }
0xbd: {  	s0 =	sor.u32 s1, s0  }
0xbe: {  	s0 =	sadd.s32 $0x8F2B, s0  }
0xbf: {  	[sflag:s0] =	ssyncadd.remote.s32 $0x1  }
0xc0: {  	_ =	sfence.sel $0xFFFF  }
0xc1: {  	[dreg:$0x0] =	wrdreg $0xFFFFFFFF;
	(pc) =	sbr.abs _section_cstart, $3  }
0xc2: {  	[dreg:$0x1] =	wrdreg $0xFFFFFFFF  }
0xc3: {  	_ =	task.clear_ibuf [dreg:s8], $0x2FFFF;
	_ =	strace $0x9FFFFFFF  }
0xc4: {  	(tm) =	ssettm $0x7FFFFFFF  }
0xc5: {  	_ =	shalt  }
tec
execute0_lowered:
.L_overlay_start_1:
0x0: {  	(tag) =	ssettag $0x1  }
0x1: {  	s1 =	rddreg [dreg:$0x0]  }
0x2: {  	s0 =	srdreg.scid;
	s2 =	rddreg [dreg:$0x1]  }
0x3: {  	s8 =	stileid.u32;
	s4 =	rddreg [dreg:$0x2]  }
0x4: {  	s10 =	simm.s32 $0x1;
	s11 =	simm.s32 $0x80;
	s12 =	simm.s32 $0x6400  }
0x5: {  	s13 =	simm.s32 $0xA400;
	s14 =	simm.s32 $0x2;
	s15 =	simm.s32 $0xE400  }
0x6: {  	s16 =	simm.s32 $0x3;
	s17 =	simm.s32 $0x12400;
	s18 =	simm.s32 $0x4  }
0x7: {  	s19 =	simm.s32 $0x16400;
	s20 =	simm.s32 $0x5;
	s21 =	simm.s32 $0x6  }
0x8: {  	s22 =	simm.s32 $0x7;
	s23 =	simm.s32 $0x8;
	s6 =	smul.u32 $0xC8000, s8  }
0x9: {  	s0 =	sand.u32 $0x1, s0;
	s3 =	sshll.u32 s8, $0x1;
	s8 =	smul.u32 $0x640000, s8  }
0xa: {  	s28 =	simm.s32 $0x0;
	s5 =	sor.u32 s0, s3;
	s7 =	smul.u32 $0x64000, s0  }
0xb: {  	s3 =	simm.s32 $0x0;
	s24 =	ssub.s32 $0x2, s0;
	s0 =	smul.u32 $0x320000, s0  }
0xc: {  	s5 =	smul.u32 $0x6400, s5;
	[smem:$0x7FF] =	sst s3;
	s9 =	sshrl.u32 s24, $0x1  }
0xd: {  	s6 =	sadd.s32 s6, s4;
	_ =	strace $0x80000047;
	s0 =	sadd.s32 s0, s8  }
0xe: {  	s25 =	sadd.s32 s7, s6;
	s5 =	sshrl.u32 s5, $0x3;
	s26 =	sor.u32 $0x10000, s0  }
0xf: {  	s29 =	sor.u32 $0xC000, s0;
	s0 =	sor.u32 $0x8000, s0;
	s2 =	sadd.s32 s5, s2  }
0x10: {  	s5 =	ssub.s32 s24, s9;
	s6 =	sshrl.u32 s26, $0x3;
	s30 =	sshrl.u32 s29, $0x3  }
.Ltmp0:
0x11: {  	s0 =	sshrl.u32 s0, $0x3;
	s2 =	sadd.s32 $0x400, s2;
	(pc) =	sbr.rel .LBB2_1-.Ltmp0, $4  }
0x12: {  	s24 =	simm.s32 $0x9;
	s5 =	smax.u32 s5, $0x1;
	[dreg:$0x4] =	wrdreg s2  }
0x13: {  	s26 =	simm.s32 $0xB;
	s31 =	sadd.s32 s6, s4;
	[dreg:$0x5] =	wrdreg s5  }
0x14: {  	s8 =	sadd.s32 s30, s4;
	s2 =	sadd.s32 $0x800, s25;
	[dreg:$0x7] =	wrdreg s31  }
0x15: {  	s9 =	sadd.s32 s0, s4;
	s25 =	simm.s32 $0xA;
	[dreg:$0x6] =	wrdreg s2  }
.LBB2_4:
0x16: {  	_ =	swait.ge [sflag:s22], $0x4000  }
0x17: {  	[sflag:s22] =	ssyncset.done $0x0  }
0x18: {  	[sflag:s22] =	ssyncadd.s32 $0xFFFFC000  }
0x19: {  	_ =	swait.ge [sflag:s23], $0x4000  }
0x1a: {  	[sflag:s23] =	ssyncset.done $0x0  }
0x1b: {  	[sflag:s23] =	ssyncadd.s32 $0xFFFFC000  }
0x1c: {  	_ =	swait.ge [sflag:s24], $0x4000  }
0x1d: {  	[sflag:s24] =	ssyncset.done $0x0  }
0x1e: {  	[sflag:s24] =	ssyncadd.s32 $0xFFFFC000  }
0x1f: {  	_ =	swait.ge [sflag:s25], $0x4000  }
0x20: {  	[sflag:s25] =	ssyncset.done $0x0  }
0x21: {  	[sflag:s25] =	ssyncadd.s32 $0xFFFFC000  }
0x22: {  	_ =	swait.ge [sflag:s26], $0x4000  }
0x23: {  	s28 =	sadd.s32 $0x1, s28;
	s0 =	rddreg [dreg:$0x5]  }
0x24: {  	p0 =	sne.s32 s28, s0  }
.Ltmp1:
0x25: {  	_ = 	snop;
	(pc) =	sbr.rel @!p0 .LBB2_5-.Ltmp1, $3  }
0x26: {  	_ =	sdelay $0x1  }
0x27: {  	[sflag:s26] =	ssyncset.done $0x0  }
0x28: {  	[sflag:s26] =	ssyncadd.s32 $0xFFFFC000  }
.LBB2_1:
0x29: {  	s0 =	rddreg [dreg:$0x4]  }
0x2a: {  	[tilespmem:s3], [sflag:$0x1] =	stream.linear.gather [hbm4b:s0+s3], $0x6400, $0x38;
	[tilespmem:$0x1A400] =	vst v63  }
0x2b: {  	_ =	swait.ge [sflag:s10], $0x6400  }
0x2c: {  	[sflag:s10] =	ssyncset.done $0x0  }
0x2d: {  	s29 =	smov.u32 s9;
	s31 =	rddreg [dreg:$0x7];
	[sflag:s10] =	ssyncadd.s32 $0xFFFF9C00  }
0x2e: {  	[tilespmem:s12], [sflag:$0x2] =	stream.indirect.gather [hbm4b:s1+s11], $0x80, s3, s11, $0xb8;
	[tilespmem:$0x1A400] =	vst v63  }
0x2f: {  	s30 =	smov.u32 s8;
	s0 =	simm.s32 $0x0;
	s6 =	rddreg [dreg:$0x6]  }
0x30: {  	[tilespmem:s13], [sflag:$0x3] =	stream.indirect.gather [hbm4b:s1+s11], $0x80, s11, s11, $0xb8;
	[tilespmem:$0x1A400] =	vst v63  }
.LBB2_2:
0x31: {  	_ =	swait.ge [sflag:s14], $0x4000  }
0x32: {  	p0 =	seq.s32 s0, $0x0;
	[sflag:s14] =	ssyncset.done $0x0  }
0x33: {  	s4 =	sadd.s32 $0xFFFFF800, s6;
	s5 =	simm.s32 @!p0 $0x9;
	[sflag:s14] =	ssyncadd.s32 $0xFFFFC000  }
0x34: {  	[hbm4b:s4+s3] =	stream.linear.scatter [tilespmem:s12], [sflag:$0x7], $0x4000, $0x38;
	[tilespmem:$0x1A400] =	vst v63  }
0x35: {  	_ =	swait.ge @!p0 [sflag:s5], $0x4000  }
0x36: {  	s4 =	sshra.s32 s0, $0x2;
	[sflag:s5] =	ssyncset.done @!p0 $0x0  }
0x37: {  	s7 =	sadd.s32 $0x100, s4;
	[sflag:s5] =	ssyncadd.s32 @!p0 $0xFFFFC000  }
0x38: {  	[tilespmem:s15], [sflag:$0x4] =	stream.indirect.gather [hbm4b:s1+s11], $0x80, s7, s11, $0xb8;
	[tilespmem:$0x1A400] =	vst v63  }
0x39: {  	_ =	swait.ge [sflag:s16], $0x4000  }
0x3a: {  	[sflag:s16] =	ssyncset.done $0x0  }
0x3b: {  	s5 =	simm.s32 @!p0 $0xA;
	[sflag:s16] =	ssyncadd.s32 $0xFFFFC000  }
0x3c: {  	[hbm4b:s6+s3] =	stream.linear.scatter [tilespmem:s13], [sflag:$0x8], $0x4000, $0x38;
	[tilespmem:$0x1A400] =	vst v63  }
0x3d: {  	_ =	swait.ge @!p0 [sflag:s5], $0x4000  }
0x3e: {  	[sflag:s5] =	ssyncset.done @!p0 $0x0  }
0x3f: {  	s2 =	sadd.s32 $0x180, s4;
	[sflag:s5] =	ssyncadd.s32 @!p0 $0xFFFFC000  }
0x40: {  	[tilespmem:s17], [sflag:$0x5] =	stream.indirect.gather [hbm4b:s1+s11], $0x80, s2, s11, $0xb8;
	[tilespmem:$0x1A400] =	vst v63  }
0x41: {  	_ =	swait.ge [sflag:s18], $0x4000  }
0x42: {  	[sflag:s18] =	ssyncset.done $0x0  }
0x43: {  	s5 =	simm.s32 @!p0 $0xB;
	[sflag:s18] =	ssyncadd.s32 $0xFFFFC000  }
0x44: {  	[hbm4b:s29+s3] =	stream.linear.scatter [tilespmem:s15], [sflag:$0x9], $0x4000, $0x38;
	[tilespmem:$0x1A400] =	vst v63  }
0x45: {  	_ =	swait.ge @!p0 [sflag:s5], $0x4000  }
0x46: {  	[sflag:s5] =	ssyncset.done @!p0 $0x0  }
0x47: {  	s7 =	sadd.s32 $0x200, s4;
	[sflag:s5] =	ssyncadd.s32 @!p0 $0xFFFFC000  }
0x48: {  	[tilespmem:s19], [sflag:$0x6] =	stream.indirect.gather [hbm4b:s1+s11], $0x80, s7, s11, $0xb8;
	[tilespmem:$0x1A400] =	vst v63  }
0x49: {  	_ =	swait.ge [sflag:s20], $0x4000  }
0x4a: {  	p0 =	seq.s32 s0, $0x18600;
	[sflag:s20] =	ssyncset.done $0x0  }
0x4b: {  	s5 =	simm.s32 @!p0 $0x7;
	[sflag:s20] =	ssyncadd.s32 $0xFFFFC000  }
0x4c: {  	[hbm4b:s30+s3] =	stream.linear.scatter [tilespmem:s17], [sflag:$0xA], $0x4000, $0x38;
	[tilespmem:$0x1A400] =	vst v63  }
0x4d: {  	_ =	swait.ge @!p0 [sflag:s5], $0x4000  }
0x4e: {  	[sflag:s5] =	ssyncset.done @!p0 $0x0  }
0x4f: {  	[sflag:s5] =	ssyncadd.s32 @!p0 $0xFFFFC000;
	s5 =	sshra.s32 @!p0 s0, $0x2  }
0x50: {  	s2 =	simm.s32 @!p0 $0x80;
	s7 =	simm.s32 @!p0 $0x6400;
	s5 =	sadd.s32 @!p0 $0x280, s5  }
0x51: {  	[tilespmem:s7], [sflag:$0x2] =	stream.indirect.gather @!p0 [hbm4b:s1+s2], $0x80, s5, s2, $0xb8;
	[tilespmem:$0x1A400] =	vst v63  }
.Ltmp2:
0x52: {  	_ = 	snop;
	(pc) =	sbr.rel @p0 .LBB2_4-.Ltmp2, $4  }
0x53: {  	_ =	swait.ge [sflag:s21], $0x4000  }
0x54: {  	[sflag:s21] =	ssyncset.done $0x0  }
0x55: {  	[sflag:s21] =	ssyncadd.s32 $0xFFFFC000  }
0x56: {  	[hbm4b:s31+s3] =	stream.linear.scatter [tilespmem:s19], [sflag:$0xB], $0x4000, $0x38;
	[tilespmem:$0x1A400] =	vst v63  }
.Ltmp3:
0x57: {  	(pc) =	sbr.rel .LBB2_2-.Ltmp3, $4  }
0x58: {  	_ =	swait.ge [sflag:s23], $0x4000;
	s2 =	sadd.s32 $0x300, s4;
	s0 =	sadd.s32 $0xA00, s0  }
0x59: {  	s6 =	sadd.s32 $0x2800, s6;
	s31 =	sadd.s32 $0x2800, s31;
	[sflag:s23] =	ssyncset.done $0x0  }
0x5a: {  	s30 =	sadd.s32 $0x2800, s30;
	s29 =	sadd.s32 $0x2800, s29;
	[sflag:s23] =	ssyncadd.s32 $0xFFFFC000  }
0x5b: {  	[tilespmem:s13], [sflag:$0x3] =	stream.indirect.gather [hbm4b:s1+s11], $0x80, s2, s11, $0xb8;
	[tilespmem:$0x1A400] =	vst v63  }
.LBB2_5:
0x5c: {  	_ =	sfence.sel $0x180000  }
0x5d: {  	[bflag:$0x0] =	sbarrier.arrive $0xFFFF  }
0x5e: {  	_ =	strace $0x90000047  }
0x5f: {  	s0 =	stileid.u32;
	[bflag:$0x2] =	sbarrier.arrive $0xFFFF  }
0x60: {  	p0 =	sne.s32 s0, $0x0;
	s0 =	rddreg [dreg:$0x3]  }
0x61: {  	s0 =	sadd.s32 @!p0 $0x100000, s0  }
0x62: {  	[sflag:s0] =	ssyncadd.tile.s32 @!p0 $0x1;
	_ =	shalt  }
.Lfunc_end2:
_tile_overlayer_lowered:
.L_overlay_start_2:
0x63: {  	(tag) =	ssettag $0x2  }
0x64: {  	s0 =	rddreg [dreg:$0x0];
	s2 =	stileid.u32  }
0x65: {  	s1 =	rddreg [dreg:$0x1];
	p0 =	sne.s32 s2, $0x0  }
0x66: {  	s3 =	rddreg [dreg:$0x2];
	[bflag:$0x3] =	sbarrier.arrive $0xFFFF;
	s2 =	simm.s32 @!p0 $0x1C0C  }
0x67: {  	[timem:s3], [sflag:s2] =	dma.local @!p0 [hbm:s0], s1  }
0x68: {  	s0 =	simm.s32 @!p0 $0xC  }
0x69: {  	_ =	swait.ge @!p0 [sflag:s0], s1  }
0x6a: {  	s1 =	ssub.s32 @!p0 $0x0, s1;
	[sflag:s0] =	ssyncset.done @!p0 $0x0  }
0x6b: {  	[sflag:s0] =	ssyncadd.s32 @!p0 s1  }
0x6c: {  	[bflag:$0x3] =	sbarrier.arrive $0xFFFF  }
0x6d: {  	_ =	shalt  }

</sc_bundles>
